<compile_context>
chip_gen: v7x
topology: tpu7x:2x2x1
jax: 0.10.2.dev20260603
libtpu: 0.0.44.dev20260713+nightly
codegen_flags: <defaults>
</compile_context>

<pallas_src>
import functools

import jax
import jax.numpy as jnp
from jax import lax
from jax.experimental import pallas as pl
from jax.experimental.pallas import tpu as pltpu
from jax.experimental.pallas import tpu_sc as plsc
from jax._src.pallas import mpmd as _mpmd

_SIZE = 1000
_BATCH = 16384
_NC = 2
_NS = 16
_L = 16
_NW = _NC * _NS
_TOT = _SIZE * _BATCH
_WPW = _TOT // _NW
_ZW = 64000
_NZ = _WPW // _ZW
_BPW = _BATCH // _NW
_OROW = 128
_NOR = _BPW // _OROW

_mesh = plsc.VectorSubcoreMesh(
    core_axis_name="c", subcore_axis_name="s", num_cores=_NC, num_subcores=_NS
)


@functools.partial(
    pl.kernel,
    out_type=jax.ShapeDtypeStruct((_TOT,), jnp.float32),
    mesh=_mesh,
    scratch_types=[
        pltpu.VMEM((_ZW,), jnp.float32),
        pltpu.SemaphoreType.DMA,
    ],
)
def _zeros_k(out_hbm, zbuf, sem):
    wid = lax.axis_index("s") * _NC + lax.axis_index("c")
    base = wid * _WPW
    zv = jnp.zeros((_L,), jnp.float32)

    def zfill(i, carry):
        zbuf[pl.ds(i * _L, _L)] = zv
        return carry

    lax.fori_loop(0, _ZW // _L, zfill, 0)
    for z in range(_NZ):
        pltpu.async_copy(zbuf, out_hbm.at[pl.ds(base + z * _ZW, _ZW)], sem)
    for z in range(_NZ):
        pltpu.make_async_copy(
            out_hbm.at[pl.ds(base + z * _ZW, _ZW)], zbuf, sem
        ).wait()


def _ones_body(zin_hbm, idx_hbm, out_hbm, idx_v, offs_v, ones_v, sem):
    wid = lax.axis_index("s") * _NC + lax.axis_index("c")
    base_b = wid * _BPW
    lane = lax.iota(jnp.int32, _L)

    pltpu.sync_copy(idx_hbm.at[pl.ds(base_b, _BPW)], idx_v)
    for j in range(_OROW // _L):
        ones_v[pl.ds(j * _L, _L)] = jnp.ones((_L,), jnp.float32)
    for j in range(_NOR):
        for k in range(_OROW // _L):
            r = base_b + j * _OROW + k * _L
            iv = idx_v[pl.ds(j * _OROW + k * _L, _L)]
            offs_v[j, pl.ds(k * _L, _L)] = iv * _BATCH + (r + lane)
    scats = [
        pltpu.async_copy(ones_v, out_hbm.at[offs_v.at[j]], sem)
        for j in range(_NOR)
    ]
    for c in scats:
        c.wait()


_ones_k = _mpmd._mpmd_map(
    [(_mesh, _ones_body)],
    jax.ShapeDtypeStruct((_TOT,), jnp.float32),
    input_output_aliases={0: 0},
    scratch_types=[
        pltpu.VMEM((_BPW,), jnp.int32),
        pltpu.VMEM((_NOR, _OROW), jnp.int32),
        pltpu.VMEM((_OROW,), jnp.float32),
        pltpu.SemaphoreType.DMA,
    ],
)


def kernel(index, eye):
    del eye
    flat = _ones_k(_zeros_k(), index.astype(jnp.int32))
    return flat.reshape(_SIZE, _BATCH).T

# --- scband reference (transcript-rebuilt; emitter-appended) ---
"""Pipeline reference for scband-one-hot-embedding-36575941493095 (READ-ONLY COPY).

The authoritative reference and input builder live on the scoring server;
editing this copy changes nothing except your own understanding.
"""

import jax, jax.numpy as jnp
import numpy as np

SIZE = 1000
BATCH = 16384

def setup_inputs(seed: int = 0) -> dict:
    key = jax.random.key(seed)
    k_idx, _ = jax.random.split(key)
    index = jax.random.randint(k_idx, (BATCH,), 0, SIZE, dtype=jnp.int64 if jax.config.jax_enable_x64 else jnp.int32)
    eye = jnp.eye(SIZE, SIZE, dtype=jnp.float32)
    return {"index": index, "eye": eye}

def reference(index, eye):
    # OneHotEmbedding.forward: return self.eye[index]
    return jnp.take(eye, index, axis=0)

if __name__ == "__main__":
    import jax
    _d = setup_inputs()
    print(jax.jit(kernel)(*tuple(_d.values())))

</pallas_src>

<mosaic_0001>
#map = affine_map<(d0, d1) -> (0)>
module attributes {stable_mosaic.version = 14 : i64} {
  func.func @_ones_body(%arg0: i32, %arg1: i32, %arg2: memref<16384000xf32, #tpu.memory_space<hbm>>, %arg3: memref<16384xi32, #tpu.memory_space<hbm>>, %arg4: memref<16384000xf32, #tpu.memory_space<hbm>>, %arg5: memref<512xi32, #tpu.memory_space<vmem>>, %arg6: memref<4x128xi32, #tpu.memory_space<vmem>>, %arg7: memref<128xf32, #tpu.memory_space<vmem>>, %arg8: memref<!tpu.dma_semaphore, #tpu.memory_space<semaphore_mem>>) attributes {dimension_semantics = [#tpu.dimension_semantics<core_parallel>, #tpu.dimension_semantics<subcore_parallel>], iteration_bounds = array<i64: 2, 16>, scalar_prefetch = 0 : i64, scratch_operands = 4 : i64, tpu.core_type = #tpu.core_type<sc_vector_subcore>, window_params = [{transform_indices = #map}, {transform_indices = #map}, {transform_indices = #map}]} {
    %mul3A = arith.constant 2 : i32
    %mul3A_0 = arith.muli %arg1, %mul3A : i32
    %add3A = arith.addi %mul3A_0, %arg0 : i32
    %mul3A_1 = arith.constant 512 : i32
    %mul3A_2 = arith.muli %add3A, %mul3A_1 : i32
    %iota3A = tpu.iota {dimensions = array<i32: 0>} : vector<16xi32>
    "tpu.region"() ({
      %run_scoped3A = tpu.sem_alloc : memref<!tpu.dma_semaphore, #tpu.memory_space<semaphore_mem>>
      %dma_start3A_702 = tpu.memref_slice %arg3[%mul3A_2] : memref<16384xi32, #tpu.memory_space<hbm>> -> memref<512xi32, #tpu.memory_space<hbm>>
      %dma_start3A_703 = tpu.memref_slice %arg3[%mul3A_2] : memref<16384xi32, #tpu.memory_space<hbm>> -> memref<512xi32, #tpu.memory_space<hbm>>
      tpu.enqueue_dma source(%dma_start3A_703 : memref<512xi32, #tpu.memory_space<hbm>>) target(%arg5 : memref<512xi32, #tpu.memory_space<vmem>>) target_semaphore(%run_scoped3A : memref<!tpu.dma_semaphore, #tpu.memory_space<semaphore_mem>>)
      %dma_wait3A_704 = tpu.memref_slice %arg3[%mul3A_2] : memref<16384xi32, #tpu.memory_space<hbm>> -> memref<512xi32, #tpu.memory_space<hbm>>
      %dma_wait3A_705 = tpu.memref_slice %arg3[%mul3A_2] : memref<16384xi32, #tpu.memory_space<hbm>> -> memref<512xi32, #tpu.memory_space<hbm>>
      tpu.wait_dma2 semaphore(%run_scoped3A : memref<!tpu.dma_semaphore, #tpu.memory_space<semaphore_mem>>) src(%dma_wait3A_705 : memref<512xi32, #tpu.memory_space<hbm>>) dst(%arg5 : memref<512xi32, #tpu.memory_space<vmem>>)
      tpu.yield
    }) : () -> ()
    %broadcast_in_dim3A = arith.constant 1.000000e+00 : f32
    %broadcast_in_dim3A_3 = vector.broadcast %broadcast_in_dim3A : f32 to vector<16xf32>
    %swap3A = arith.constant 0 : index
    %swap3A_4 = tpu.vector_load %arg7[%swap3A] {strides = array<i32>} : memref<128xf32, #tpu.memory_space<vmem>>, vector<16xf32>,
    %swap3A_5 = vector.shape_cast %swap3A_4 : vector<16xf32> to vector<16xf32>
    %swap3A_6 = vector.shape_cast %broadcast_in_dim3A_3 : vector<16xf32> to vector<16xf32>
    tpu.vector_store %arg7[%swap3A], %swap3A_6 {strides = array<i32>} : memref<128xf32, #tpu.memory_space<vmem>>, vector<16xf32>,
    %broadcast_in_dim3A_7 = arith.constant 1.000000e+00 : f32
    %broadcast_in_dim3A_8 = vector.broadcast %broadcast_in_dim3A_7 : f32 to vector<16xf32>
    %swap3A_9 = arith.constant 16 : index
    %swap3A_10 = tpu.vector_load %arg7[%swap3A_9] {strides = array<i32>} : memref<128xf32, #tpu.memory_space<vmem>>, vector<16xf32>,
    %swap3A_11 = vector.shape_cast %swap3A_10 : vector<16xf32> to vector<16xf32>
    %swap3A_12 = vector.shape_cast %broadcast_in_dim3A_8 : vector<16xf32> to vector<16xf32>
    tpu.vector_store %arg7[%swap3A_9], %swap3A_12 {strides = array<i32>} : memref<128xf32, #tpu.memory_space<vmem>>, vector<16xf32>,
    %broadcast_in_dim3A_13 = arith.constant 1.000000e+00 : f32
    %broadcast_in_dim3A_14 = vector.broadcast %broadcast_in_dim3A_13 : f32 to vector<16xf32>
    %swap3A_15 = arith.constant 32 : index
    %swap3A_16 = tpu.vector_load %arg7[%swap3A_15] {strides = array<i32>} : memref<128xf32, #tpu.memory_space<vmem>>, vector<16xf32>,
    %swap3A_17 = vector.shape_cast %swap3A_16 : vector<16xf32> to vector<16xf32>
    %swap3A_18 = vector.shape_cast %broadcast_in_dim3A_14 : vector<16xf32> to vector<16xf32>
    tpu.vector_store %arg7[%swap3A_15], %swap3A_18 {strides = array<i32>} : memref<128xf32, #tpu.memory_space<vmem>>, vector<16xf32>,
    %broadcast_in_dim3A_19 = arith.constant 1.000000e+00 : f32
    %broadcast_in_dim3A_20 = vector.broadcast %broadcast_in_dim3A_19 : f32 to vector<16xf32>
    %swap3A_21 = arith.constant 48 : index
    %swap3A_22 = tpu.vector_load %arg7[%swap3A_21] {strides = array<i32>} : memref<128xf32, #tpu.memory_space<vmem>>, vector<16xf32>,
    %swap3A_23 = vector.shape_cast %swap3A_22 : vector<16xf32> to vector<16xf32>
    %swap3A_24 = vector.shape_cast %broadcast_in_dim3A_20 : vector<16xf32> to vector<16xf32>
    tpu.vector_store %arg7[%swap3A_21], %swap3A_24 {strides = array<i32>} : memref<128xf32, #tpu.memory_space<vmem>>, vector<16xf32>,
    %broadcast_in_dim3A_25 = arith.constant 1.000000e+00 : f32
    %broadcast_in_dim3A_26 = vector.broadcast %broadcast_in_dim3A_25 : f32 to vector<16xf32>
    %swap3A_27 = arith.constant 64 : index
    %swap3A_28 = tpu.vector_load %arg7[%swap3A_27] {strides = array<i32>} : memref<128xf32, #tpu.memory_space<vmem>>, vector<16xf32>,
    %swap3A_29 = vector.shape_cast %swap3A_28 : vector<16xf32> to vector<16xf32>
    %swap3A_30 = vector.shape_cast %broadcast_in_dim3A_26 : vector<16xf32> to vector<16xf32>
    tpu.vector_store %arg7[%swap3A_27], %swap3A_30 {strides = array<i32>} : memref<128xf32, #tpu.memory_space<vmem>>, vector<16xf32>,
    %broadcast_in_dim3A_31 = arith.constant 1.000000e+00 : f32
    %broadcast_in_dim3A_32 = vector.broadcast %broadcast_in_dim3A_31 : f32 to vector<16xf32>
    %swap3A_33 = arith.constant 80 : index
    %swap3A_34 = tpu.vector_load %arg7[%swap3A_33] {strides = array<i32>} : memref<128xf32, #tpu.memory_space<vmem>>, vector<16xf32>,
    %swap3A_35 = vector.shape_cast %swap3A_34 : vector<16xf32> to vector<16xf32>
    %swap3A_36 = vector.shape_cast %broadcast_in_dim3A_32 : vector<16xf32> to vector<16xf32>
    tpu.vector_store %arg7[%swap3A_33], %swap3A_36 {strides = array<i32>} : memref<128xf32, #tpu.memory_space<vmem>>, vector<16xf32>,
    %broadcast_in_dim3A_37 = arith.constant 1.000000e+00 : f32
    %broadcast_in_dim3A_38 = vector.broadcast %broadcast_in_dim3A_37 : f32 to vector<16xf32>
    %swap3A_39 = arith.constant 96 : index
    %swap3A_40 = tpu.vector_load %arg7[%swap3A_39] {strides = array<i32>} : memref<128xf32, #tpu.memory_space<vmem>>, vector<16xf32>,
    %swap3A_41 = vector.shape_cast %swap3A_40 : vector<16xf32> to vector<16xf32>
    %swap3A_42 = vector.shape_cast %broadcast_in_dim3A_38 : vector<16xf32> to vector<16xf32>
    tpu.vector_store %arg7[%swap3A_39], %swap3A_42 {strides = array<i32>} : memref<128xf32, #tpu.memory_space<vmem>>, vector<16xf32>,
    %broadcast_in_dim3A_43 = arith.constant 1.000000e+00 : f32
    %broadcast_in_dim3A_44 = vector.broadcast %broadcast_in_dim3A_43 : f32 to vector<16xf32>
    %swap3A_45 = arith.constant 112 : index
    %swap3A_46 = tpu.vector_load %arg7[%swap3A_45] {strides = array<i32>} : memref<128xf32, #tpu.memory_space<vmem>>, vector<16xf32>,
    %swap3A_47 = vector.shape_cast %swap3A_46 : vector<16xf32> to vector<16xf32>
    %swap3A_48 = vector.shape_cast %broadcast_in_dim3A_44 : vector<16xf32> to vector<16xf32>
    tpu.vector_store %arg7[%swap3A_45], %swap3A_48 {strides = array<i32>} : memref<128xf32, #tpu.memory_space<vmem>>, vector<16xf32>,
    %add3A_49 = arith.constant 0 : i32
    %add3A_50 = arith.addi %mul3A_2, %add3A_49 : i32
    %add3A_51 = arith.constant 0 : i32
    %add3A_52 = arith.addi %add3A_50, %add3A_51 : i32
    %get3A = arith.constant 0 : index
    %get3A_53 = tpu.vector_load %arg5[%get3A] {strides = array<i32>} : memref<512xi32, #tpu.memory_space<vmem>>, vector<16xi32>,
    %get3A_54 = vector.shape_cast %get3A_53 : vector<16xi32> to vector<16xi32>
    %mul3A_55 = arith.constant 16384 : i32
    %mul3A_56 = vector.broadcast %mul3A_55 : i32 to vector<16xi32>
    %mul3A_57 = arith.muli %get3A_54, %mul3A_56 : vector<16xi32>
    %add3A_58 = vector.broadcast %add3A_52 : i32 to vector<16xi32>
    %add3A_59 = arith.addi %add3A_58, %iota3A : vector<16xi32>
    %add3A_60 = arith.addi %mul3A_57, %add3A_59 : vector<16xi32>
    %swap3A_61 = arith.constant 0 : i32
    %swap3A_62 = arith.index_cast %swap3A_61 : i32 to index
    %swap3A_63 = arith.constant 0 : index
    %swap3A_64 = tpu.vector_load %arg6[%swap3A_62, %swap3A_63] {strides = array<i32>} : memref<4x128xi32, #tpu.memory_space<vmem>>, vector<1x16xi32>,
    %swap3A_65 = vector.shape_cast %swap3A_64 : vector<1x16xi32> to vector<16xi32>
    %swap3A_66 = vector.shape_cast %add3A_60 : vector<16xi32> to vector<1x16xi32>
    tpu.vector_store %arg6[%swap3A_62, %swap3A_63], %swap3A_66 {strides = array<i32>} : memref<4x128xi32, #tpu.memory_space<vmem>>, vector<1x16xi32>,
    %add3A_67 = arith.constant 0 : i32
    %add3A_68 = arith.addi %mul3A_2, %add3A_67 : i32
    %add3A_69 = arith.constant 16 : i32
    %add3A_70 = arith.addi %add3A_68, %add3A_69 : i32
    %get3A_71 = arith.constant 16 : index
    %get3A_72 = tpu.vector_load %arg5[%get3A_71] {strides = array<i32>} : memref<512xi32, #tpu.memory_space<vmem>>, vector<16xi32>,
    %get3A_73 = vector.shape_cast %get3A_72 : vector<16xi32> to vector<16xi32>
    %mul3A_74 = arith.constant 16384 : i32
    %mul3A_75 = vector.broadcast %mul3A_74 : i32 to vector<16xi32>
    %mul3A_76 = arith.muli %get3A_73, %mul3A_75 : vector<16xi32>
    %add3A_77 = vector.broadcast %add3A_70 : i32 to vector<16xi32>
    %add3A_78 = arith.addi %add3A_77, %iota3A : vector<16xi32>
    %add3A_79 = arith.addi %mul3A_76, %add3A_78 : vector<16xi32>
    %swap3A_80 = arith.constant 0 : i32
    %swap3A_81 = arith.index_cast %swap3A_80 : i32 to index
    %swap3A_82 = arith.constant 16 : index
    %swap3A_83 = tpu.vector_load %arg6[%swap3A_81, %swap3A_82] {strides = array<i32>} : memref<4x128xi32, #tpu.memory_space<vmem>>, vector<1x16xi32>,
    %swap3A_84 = vector.shape_cast %swap3A_83 : vector<1x16xi32> to vector<16xi32>
    %swap3A_85 = vector.shape_cast %add3A_79 : vector<16xi32> to vector<1x16xi32>
    tpu.vector_store %arg6[%swap3A_81, %swap3A_82], %swap3A_85 {strides = array<i32>} : memref<4x128xi32, #tpu.memory_space<vmem>>, vector<1x16xi32>,
    %add3A_86 = arith.constant 0 : i32
    %add3A_87 = arith.addi %mul3A_2, %add3A_86 : i32
    %add3A_88 = arith.constant 32 : i32
    %add3A_89 = arith.addi %add3A_87, %add3A_88 : i32
    %get3A_90 = arith.constant 32 : index
    %get3A_91 = tpu.vector_load %arg5[%get3A_90] {strides = array<i32>} : memref<512xi32, #tpu.memory_space<vmem>>, vector<16xi32>,
    %get3A_92 = vector.shape_cast %get3A_91 : vector<16xi32> to vector<16xi32>
    %mul3A_93 = arith.constant 16384 : i32
    %mul3A_94 = vector.broadcast %mul3A_93 : i32 to vector<16xi32>
    %mul3A_95 = arith.muli %get3A_92, %mul3A_94 : vector<16xi32>
    %add3A_96 = vector.broadcast %add3A_89 : i32 to vector<16xi32>
    %add3A_97 = arith.addi %add3A_96, %iota3A : vector<16xi32>
    %add3A_98 = arith.addi %mul3A_95, %add3A_97 : vector<16xi32>
    %swap3A_99 = arith.constant 0 : i32
    %swap3A_100 = arith.index_cast %swap3A_99 : i32 to index
    %swap3A_101 = arith.constant 32 : index
    %swap3A_102 = tpu.vector_load %arg6[%swap3A_100, %swap3A_101] {strides = array<i32>} : memref<4x128xi32, #tpu.memory_space<vmem>>, vector<1x16xi32>,
    %swap3A_103 = vector.shape_cast %swap3A_102 : vector<1x16xi32> to vector<16xi32>
    %swap3A_104 = vector.shape_cast %add3A_98 : vector<16xi32> to vector<1x16xi32>
    tpu.vector_store %arg6[%swap3A_100, %swap3A_101], %swap3A_104 {strides = array<i32>} : memref<4x128xi32, #tpu.memory_space<vmem>>, vector<1x16xi32>,
    %add3A_105 = arith.constant 0 : i32
    %add3A_106 = arith.addi %mul3A_2, %add3A_105 : i32
    %add3A_107 = arith.constant 48 : i32
    %add3A_108 = arith.addi %add3A_106, %add3A_107 : i32
    %get3A_109 = arith.constant 48 : index
    %get3A_110 = tpu.vector_load %arg5[%get3A_109] {strides = array<i32>} : memref<512xi32, #tpu.memory_space<vmem>>, vector<16xi32>,
    %get3A_111 = vector.shape_cast %get3A_110 : vector<16xi32> to vector<16xi32>
    %mul3A_112 = arith.constant 16384 : i32
    %mul3A_113 = vector.broadcast %mul3A_112 : i32 to vector<16xi32>
    %mul3A_114 = arith.muli %get3A_111, %mul3A_113 : vector<16xi32>
    %add3A_115 = vector.broadcast %add3A_108 : i32 to vector<16xi32>
    %add3A_116 = arith.addi %add3A_115, %iota3A : vector<16xi32>
    %add3A_117 = arith.addi %mul3A_114, %add3A_116 : vector<16xi32>
    %swap3A_118 = arith.constant 0 : i32
    %swap3A_119 = arith.index_cast %swap3A_118 : i32 to index
    %swap3A_120 = arith.constant 48 : index
    %swap3A_121 = tpu.vector_load %arg6[%swap3A_119, %swap3A_120] {strides = array<i32>} : memref<4x128xi32, #tpu.memory_space<vmem>>, vector<1x16xi32>,
    %swap3A_122 = vector.shape_cast %swap3A_121 : vector<1x16xi32> to vector<16xi32>
    %swap3A_123 = vector.shape_cast %add3A_117 : vector<16xi32> to vector<1x16xi32>
    tpu.vector_store %arg6[%swap3A_119, %swap3A_120], %swap3A_123 {strides = array<i32>} : memref<4x128xi32, #tpu.memory_space<vmem>>, vector<1x16xi32>,
    %add3A_124 = arith.constant 0 : i32
    %add3A_125 = arith.addi %mul3A_2, %add3A_124 : i32
    %add3A_126 = arith.constant 64 : i32
    %add3A_127 = arith.addi %add3A_125, %add3A_126 : i32
    %get3A_128 = arith.constant 64 : index
    %get3A_129 = tpu.vector_load %arg5[%get3A_128] {strides = array<i32>} : memref<512xi32, #tpu.memory_space<vmem>>, vector<16xi32>,
    %get3A_130 = vector.shape_cast %get3A_129 : vector<16xi32> to vector<16xi32>
    %mul3A_131 = arith.constant 16384 : i32
    %mul3A_132 = vector.broadcast %mul3A_131 : i32 to vector<16xi32>
    %mul3A_133 = arith.muli %get3A_130, %mul3A_132 : vector<16xi32>
    %add3A_134 = vector.broadcast %add3A_127 : i32 to vector<16xi32>
    %add3A_135 = arith.addi %add3A_134, %iota3A : vector<16xi32>
    %add3A_136 = arith.addi %mul3A_133, %add3A_135 : vector<16xi32>
    %swap3A_137 = arith.constant 0 : i32
    %swap3A_138 = arith.index_cast %swap3A_137 : i32 to index
    %swap3A_139 = arith.constant 64 : index
    %swap3A_140 = tpu.vector_load %arg6[%swap3A_138, %swap3A_139] {strides = array<i32>} : memref<4x128xi32, #tpu.memory_space<vmem>>, vector<1x16xi32>,
    %swap3A_141 = vector.shape_cast %swap3A_140 : vector<1x16xi32> to vector<16xi32>
    %swap3A_142 = vector.shape_cast %add3A_136 : vector<16xi32> to vector<1x16xi32>
    tpu.vector_store %arg6[%swap3A_138, %swap3A_139], %swap3A_142 {strides = array<i32>} : memref<4x128xi32, #tpu.memory_space<vmem>>, vector<1x16xi32>,
    %add3A_143 = arith.constant 0 : i32
    %add3A_144 = arith.addi %mul3A_2, %add3A_143 : i32
    %add3A_145 = arith.constant 80 : i32
    %add3A_146 = arith.addi %add3A_144, %add3A_145 : i32
    %get3A_147 = arith.constant 80 : index
    %get3A_148 = tpu.vector_load %arg5[%get3A_147] {strides = array<i32>} : memref<512xi32, #tpu.memory_space<vmem>>, vector<16xi32>,
    %get3A_149 = vector.shape_cast %get3A_148 : vector<16xi32> to vector<16xi32>
    %mul3A_150 = arith.constant 16384 : i32
    %mul3A_151 = vector.broadcast %mul3A_150 : i32 to vector<16xi32>
    %mul3A_152 = arith.muli %get3A_149, %mul3A_151 : vector<16xi32>
    %add3A_153 = vector.broadcast %add3A_146 : i32 to vector<16xi32>
    %add3A_154 = arith.addi %add3A_153, %iota3A : vector<16xi32>
    %add3A_155 = arith.addi %mul3A_152, %add3A_154 : vector<16xi32>
    %swap3A_156 = arith.constant 0 : i32
    %swap3A_157 = arith.index_cast %swap3A_156 : i32 to index
    %swap3A_158 = arith.constant 80 : index
    %swap3A_159 = tpu.vector_load %arg6[%swap3A_157, %swap3A_158] {strides = array<i32>} : memref<4x128xi32, #tpu.memory_space<vmem>>, vector<1x16xi32>,
    %swap3A_160 = vector.shape_cast %swap3A_159 : vector<1x16xi32> to vector<16xi32>
    %swap3A_161 = vector.shape_cast %add3A_155 : vector<16xi32> to vector<1x16xi32>
    tpu.vector_store %arg6[%swap3A_157, %swap3A_158], %swap3A_161 {strides = array<i32>} : memref<4x128xi32, #tpu.memory_space<vmem>>, vector<1x16xi32>,
    %add3A_162 = arith.constant 0 : i32
    %add3A_163 = arith.addi %mul3A_2, %add3A_162 : i32
    %add3A_164 = arith.constant 96 : i32
    %add3A_165 = arith.addi %add3A_163, %add3A_164 : i32
    %get3A_166 = arith.constant 96 : index
    %get3A_167 = tpu.vector_load %arg5[%get3A_166] {strides = array<i32>} : memref<512xi32, #tpu.memory_space<vmem>>, vector<16xi32>,
    %get3A_168 = vector.shape_cast %get3A_167 : vector<16xi32> to vector<16xi32>
    %mul3A_169 = arith.constant 16384 : i32
    %mul3A_170 = vector.broadcast %mul3A_169 : i32 to vector<16xi32>
    %mul3A_171 = arith.muli %get3A_168, %mul3A_170 : vector<16xi32>
    %add3A_172 = vector.broadcast %add3A_165 : i32 to vector<16xi32>
    %add3A_173 = arith.addi %add3A_172, %iota3A : vector<16xi32>
    %add3A_174 = arith.addi %mul3A_171, %add3A_173 : vector<16xi32>
    %swap3A_175 = arith.constant 0 : i32
    %swap3A_176 = arith.index_cast %swap3A_175 : i32 to index
    %swap3A_177 = arith.constant 96 : index
    %swap3A_178 = tpu.vector_load %arg6[%swap3A_176, %swap3A_177] {strides = array<i32>} : memref<4x128xi32, #tpu.memory_space<vmem>>, vector<1x16xi32>,
    %swap3A_179 = vector.shape_cast %swap3A_178 : vector<1x16xi32> to vector<16xi32>
    %swap3A_180 = vector.shape_cast %add3A_174 : vector<16xi32> to vector<1x16xi32>
    tpu.vector_store %arg6[%swap3A_176, %swap3A_177], %swap3A_180 {strides = array<i32>} : memref<4x128xi32, #tpu.memory_space<vmem>>, vector<1x16xi32>,
    %add3A_181 = arith.constant 0 : i32
    %add3A_182 = arith.addi %mul3A_2, %add3A_181 : i32
    %add3A_183 = arith.constant 112 : i32
    %add3A_184 = arith.addi %add3A_182, %add3A_183 : i32
    %get3A_185 = arith.constant 112 : index
    %get3A_186 = tpu.vector_load %arg5[%get3A_185] {strides = array<i32>} : memref<512xi32, #tpu.memory_space<vmem>>, vector<16xi32>,
    %get3A_187 = vector.shape_cast %get3A_186 : vector<16xi32> to vector<16xi32>
    %mul3A_188 = arith.constant 16384 : i32
    %mul3A_189 = vector.broadcast %mul3A_188 : i32 to vector<16xi32>
    %mul3A_190 = arith.muli %get3A_187, %mul3A_189 : vector<16xi32>
    %add3A_191 = vector.broadcast %add3A_184 : i32 to vector<16xi32>
    %add3A_192 = arith.addi %add3A_191, %iota3A : vector<16xi32>
    %add3A_193 = arith.addi %mul3A_190, %add3A_192 : vector<16xi32>
    %swap3A_194 = arith.constant 0 : i32
    %swap3A_195 = arith.index_cast %swap3A_194 : i32 to index
    %swap3A_196 = arith.constant 112 : index
    %swap3A_197 = tpu.vector_load %arg6[%swap3A_195, %swap3A_196] {strides = array<i32>} : memref<4x128xi32, #tpu.memory_space<vmem>>, vector<1x16xi32>,
    %swap3A_198 = vector.shape_cast %swap3A_197 : vector<1x16xi32> to vector<16xi32>
    %swap3A_199 = vector.shape_cast %add3A_193 : vector<16xi32> to vector<1x16xi32>
    tpu.vector_store %arg6[%swap3A_195, %swap3A_196], %swap3A_199 {strides = array<i32>} : memref<4x128xi32, #tpu.memory_space<vmem>>, vector<1x16xi32>,
    %add3A_200 = arith.constant 128 : i32
    %add3A_201 = arith.addi %mul3A_2, %add3A_200 : i32
    %add3A_202 = arith.constant 0 : i32
    %add3A_203 = arith.addi %add3A_201, %add3A_202 : i32
    %get3A_204 = arith.constant 128 : index
    %get3A_205 = tpu.vector_load %arg5[%get3A_204] {strides = array<i32>} : memref<512xi32, #tpu.memory_space<vmem>>, vector<16xi32>,
    %get3A_206 = vector.shape_cast %get3A_205 : vector<16xi32> to vector<16xi32>
    %mul3A_207 = arith.constant 16384 : i32
    %mul3A_208 = vector.broadcast %mul3A_207 : i32 to vector<16xi32>
    %mul3A_209 = arith.muli %get3A_206, %mul3A_208 : vector<16xi32>
    %add3A_210 = vector.broadcast %add3A_203 : i32 to vector<16xi32>
    %add3A_211 = arith.addi %add3A_210, %iota3A : vector<16xi32>
    %add3A_212 = arith.addi %mul3A_209, %add3A_211 : vector<16xi32>
    %swap3A_213 = arith.constant 1 : i32
    %swap3A_214 = arith.index_cast %swap3A_213 : i32 to index
    %swap3A_215 = arith.constant 0 : index
    %swap3A_216 = tpu.vector_load %arg6[%swap3A_214, %swap3A_215] {strides = array<i32>} : memref<4x128xi32, #tpu.memory_space<vmem>>, vector<1x16xi32>,
    %swap3A_217 = vector.shape_cast %swap3A_216 : vector<1x16xi32> to vector<16xi32>
    %swap3A_218 = vector.shape_cast %add3A_212 : vector<16xi32> to vector<1x16xi32>
    tpu.vector_store %arg6[%swap3A_214, %swap3A_215], %swap3A_218 {strides = array<i32>} : memref<4x128xi32, #tpu.memory_space<vmem>>, vector<1x16xi32>,
    %add3A_219 = arith.constant 128 : i32
    %add3A_220 = arith.addi %mul3A_2, %add3A_219 : i32
    %add3A_221 = arith.constant 16 : i32
    %add3A_222 = arith.addi %add3A_220, %add3A_221 : i32
    %get3A_223 = arith.constant 144 : index
    %get3A_224 = tpu.vector_load %arg5[%get3A_223] {strides = array<i32>} : memref<512xi32, #tpu.memory_space<vmem>>, vector<16xi32>,
    %get3A_225 = vector.shape_cast %get3A_224 : vector<16xi32> to vector<16xi32>
    %mul3A_226 = arith.constant 16384 : i32
    %mul3A_227 = vector.broadcast %mul3A_226 : i32 to vector<16xi32>
    %mul3A_228 = arith.muli %get3A_225, %mul3A_227 : vector<16xi32>
    %add3A_229 = vector.broadcast %add3A_222 : i32 to vector<16xi32>
    %add3A_230 = arith.addi %add3A_229, %iota3A : vector<16xi32>
    %add3A_231 = arith.addi %mul3A_228, %add3A_230 : vector<16xi32>
    %swap3A_232 = arith.constant 1 : i32
    %swap3A_233 = arith.index_cast %swap3A_232 : i32 to index
    %swap3A_234 = arith.constant 16 : index
    %swap3A_235 = tpu.vector_load %arg6[%swap3A_233, %swap3A_234] {strides = array<i32>} : memref<4x128xi32, #tpu.memory_space<vmem>>, vector<1x16xi32>,
    %swap3A_236 = vector.shape_cast %swap3A_235 : vector<1x16xi32> to vector<16xi32>
    %swap3A_237 = vector.shape_cast %add3A_231 : vector<16xi32> to vector<1x16xi32>
    tpu.vector_store %arg6[%swap3A_233, %swap3A_234], %swap3A_237 {strides = array<i32>} : memref<4x128xi32, #tpu.memory_space<vmem>>, vector<1x16xi32>,
    %add3A_238 = arith.constant 128 : i32
    %add3A_239 = arith.addi %mul3A_2, %add3A_238 : i32
    %add3A_240 = arith.constant 32 : i32
    %add3A_241 = arith.addi %add3A_239, %add3A_240 : i32
    %get3A_242 = arith.constant 160 : index
    %get3A_243 = tpu.vector_load %arg5[%get3A_242] {strides = array<i32>} : memref<512xi32, #tpu.memory_space<vmem>>, vector<16xi32>,
    %get3A_244 = vector.shape_cast %get3A_243 : vector<16xi32> to vector<16xi32>
    %mul3A_245 = arith.constant 16384 : i32
    %mul3A_246 = vector.broadcast %mul3A_245 : i32 to vector<16xi32>
    %mul3A_247 = arith.muli %get3A_244, %mul3A_246 : vector<16xi32>
    %add3A_248 = vector.broadcast %add3A_241 : i32 to vector<16xi32>
    %add3A_249 = arith.addi %add3A_248, %iota3A : vector<16xi32>
    %add3A_250 = arith.addi %mul3A_247, %add3A_249 : vector<16xi32>
    %swap3A_251 = arith.constant 1 : i32
    %swap3A_252 = arith.index_cast %swap3A_251 : i32 to index
    %swap3A_253 = arith.constant 32 : index
    %swap3A_254 = tpu.vector_load %arg6[%swap3A_252, %swap3A_253] {strides = array<i32>} : memref<4x128xi32, #tpu.memory_space<vmem>>, vector<1x16xi32>,
    %swap3A_255 = vector.shape_cast %swap3A_254 : vector<1x16xi32> to vector<16xi32>
    %swap3A_256 = vector.shape_cast %add3A_250 : vector<16xi32> to vector<1x16xi32>
    tpu.vector_store %arg6[%swap3A_252, %swap3A_253], %swap3A_256 {strides = array<i32>} : memref<4x128xi32, #tpu.memory_space<vmem>>, vector<1x16xi32>,
    %add3A_257 = arith.constant 128 : i32
    %add3A_258 = arith.addi %mul3A_2, %add3A_257 : i32
    %add3A_259 = arith.constant 48 : i32
    %add3A_260 = arith.addi %add3A_258, %add3A_259 : i32
    %get3A_261 = arith.constant 176 : index
    %get3A_262 = tpu.vector_load %arg5[%get3A_261] {strides = array<i32>} : memref<512xi32, #tpu.memory_space<vmem>>, vector<16xi32>,
    %get3A_263 = vector.shape_cast %get3A_262 : vector<16xi32> to vector<16xi32>
    %mul3A_264 = arith.constant 16384 : i32
    %mul3A_265 = vector.broadcast %mul3A_264 : i32 to vector<16xi32>
    %mul3A_266 = arith.muli %get3A_263, %mul3A_265 : vector<16xi32>
    %add3A_267 = vector.broadcast %add3A_260 : i32 to vector<16xi32>
    %add3A_268 = arith.addi %add3A_267, %iota3A : vector<16xi32>
    %add3A_269 = arith.addi %mul3A_266, %add3A_268 : vector<16xi32>
    %swap3A_270 = arith.constant 1 : i32
    %swap3A_271 = arith.index_cast %swap3A_270 : i32 to index
    %swap3A_272 = arith.constant 48 : index
    %swap3A_273 = tpu.vector_load %arg6[%swap3A_271, %swap3A_272] {strides = array<i32>} : memref<4x128xi32, #tpu.memory_space<vmem>>, vector<1x16xi32>,
    %swap3A_274 = vector.shape_cast %swap3A_273 : vector<1x16xi32> to vector<16xi32>
    %swap3A_275 = vector.shape_cast %add3A_269 : vector<16xi32> to vector<1x16xi32>
    tpu.vector_store %arg6[%swap3A_271, %swap3A_272], %swap3A_275 {strides = array<i32>} : memref<4x128xi32, #tpu.memory_space<vmem>>, vector<1x16xi32>,
    %add3A_276 = arith.constant 128 : i32
    %add3A_277 = arith.addi %mul3A_2, %add3A_276 : i32
    %add3A_278 = arith.constant 64 : i32
    %add3A_279 = arith.addi %add3A_277, %add3A_278 : i32
    %get3A_280 = arith.constant 192 : index
    %get3A_281 = tpu.vector_load %arg5[%get3A_280] {strides = array<i32>} : memref<512xi32, #tpu.memory_space<vmem>>, vector<16xi32>,
    %get3A_282 = vector.shape_cast %get3A_281 : vector<16xi32> to vector<16xi32>
    %mul3A_283 = arith.constant 16384 : i32
    %mul3A_284 = vector.broadcast %mul3A_283 : i32 to vector<16xi32>
    %mul3A_285 = arith.muli %get3A_282, %mul3A_284 : vector<16xi32>
    %add3A_286 = vector.broadcast %add3A_279 : i32 to vector<16xi32>
    %add3A_287 = arith.addi %add3A_286, %iota3A : vector<16xi32>
    %add3A_288 = arith.addi %mul3A_285, %add3A_287 : vector<16xi32>
    %swap3A_289 = arith.constant 1 : i32
    %swap3A_290 = arith.index_cast %swap3A_289 : i32 to index
    %swap3A_291 = arith.constant 64 : index
    %swap3A_292 = tpu.vector_load %arg6[%swap3A_290, %swap3A_291] {strides = array<i32>} : memref<4x128xi32, #tpu.memory_space<vmem>>, vector<1x16xi32>,
    %swap3A_293 = vector.shape_cast %swap3A_292 : vector<1x16xi32> to vector<16xi32>
    %swap3A_294 = vector.shape_cast %add3A_288 : vector<16xi32> to vector<1x16xi32>
    tpu.vector_store %arg6[%swap3A_290, %swap3A_291], %swap3A_294 {strides = array<i32>} : memref<4x128xi32, #tpu.memory_space<vmem>>, vector<1x16xi32>,
    %add3A_295 = arith.constant 128 : i32
    %add3A_296 = arith.addi %mul3A_2, %add3A_295 : i32
    %add3A_297 = arith.constant 80 : i32
    %add3A_298 = arith.addi %add3A_296, %add3A_297 : i32
    %get3A_299 = arith.constant 208 : index
    %get3A_300 = tpu.vector_load %arg5[%get3A_299] {strides = array<i32>} : memref<512xi32, #tpu.memory_space<vmem>>, vector<16xi32>,
    %get3A_301 = vector.shape_cast %get3A_300 : vector<16xi32> to vector<16xi32>
    %mul3A_302 = arith.constant 16384 : i32
    %mul3A_303 = vector.broadcast %mul3A_302 : i32 to vector<16xi32>
    %mul3A_304 = arith.muli %get3A_301, %mul3A_303 : vector<16xi32>
    %add3A_305 = vector.broadcast %add3A_298 : i32 to vector<16xi32>
    %add3A_306 = arith.addi %add3A_305, %iota3A : vector<16xi32>
    %add3A_307 = arith.addi %mul3A_304, %add3A_306 : vector<16xi32>
    %swap3A_308 = arith.constant 1 : i32
    %swap3A_309 = arith.index_cast %swap3A_308 : i32 to index
    %swap3A_310 = arith.constant 80 : index
    %swap3A_311 = tpu.vector_load %arg6[%swap3A_309, %swap3A_310] {strides = array<i32>} : memref<4x128xi32, #tpu.memory_space<vmem>>, vector<1x16xi32>,
    %swap3A_312 = vector.shape_cast %swap3A_311 : vector<1x16xi32> to vector<16xi32>
    %swap3A_313 = vector.shape_cast %add3A_307 : vector<16xi32> to vector<1x16xi32>
    tpu.vector_store %arg6[%swap3A_309, %swap3A_310], %swap3A_313 {strides = array<i32>} : memref<4x128xi32, #tpu.memory_space<vmem>>, vector<1x16xi32>,
    %add3A_314 = arith.constant 128 : i32
    %add3A_315 = arith.addi %mul3A_2, %add3A_314 : i32
    %add3A_316 = arith.constant 96 : i32
    %add3A_317 = arith.addi %add3A_315, %add3A_316 : i32
    %get3A_318 = arith.constant 224 : index
    %get3A_319 = tpu.vector_load %arg5[%get3A_318] {strides = array<i32>} : memref<512xi32, #tpu.memory_space<vmem>>, vector<16xi32>,
    %get3A_320 = vector.shape_cast %get3A_319 : vector<16xi32> to vector<16xi32>
    %mul3A_321 = arith.constant 16384 : i32
    %mul3A_322 = vector.broadcast %mul3A_321 : i32 to vector<16xi32>
    %mul3A_323 = arith.muli %get3A_320, %mul3A_322 : vector<16xi32>
    %add3A_324 = vector.broadcast %add3A_317 : i32 to vector<16xi32>
    %add3A_325 = arith.addi %add3A_324, %iota3A : vector<16xi32>
    %add3A_326 = arith.addi %mul3A_323, %add3A_325 : vector<16xi32>
    %swap3A_327 = arith.constant 1 : i32
    %swap3A_328 = arith.index_cast %swap3A_327 : i32 to index
    %swap3A_329 = arith.constant 96 : index
    %swap3A_330 = tpu.vector_load %arg6[%swap3A_328, %swap3A_329] {strides = array<i32>} : memref<4x128xi32, #tpu.memory_space<vmem>>, vector<1x16xi32>,
    %swap3A_331 = vector.shape_cast %swap3A_330 : vector<1x16xi32> to vector<16xi32>
    %swap3A_332 = vector.shape_cast %add3A_326 : vector<16xi32> to vector<1x16xi32>
    tpu.vector_store %arg6[%swap3A_328, %swap3A_329], %swap3A_332 {strides = array<i32>} : memref<4x128xi32, #tpu.memory_space<vmem>>, vector<1x16xi32>,
    %add3A_333 = arith.constant 128 : i32
    %add3A_334 = arith.addi %mul3A_2, %add3A_333 : i32
    %add3A_335 = arith.constant 112 : i32
    %add3A_336 = arith.addi %add3A_334, %add3A_335 : i32
    %get3A_337 = arith.constant 240 : index
    %get3A_338 = tpu.vector_load %arg5[%get3A_337] {strides = array<i32>} : memref<512xi32, #tpu.memory_space<vmem>>, vector<16xi32>,
    %get3A_339 = vector.shape_cast %get3A_338 : vector<16xi32> to vector<16xi32>
    %mul3A_340 = arith.constant 16384 : i32
    %mul3A_341 = vector.broadcast %mul3A_340 : i32 to vector<16xi32>
    %mul3A_342 = arith.muli %get3A_339, %mul3A_341 : vector<16xi32>
    %add3A_343 = vector.broadcast %add3A_336 : i32 to vector<16xi32>
    %add3A_344 = arith.addi %add3A_343, %iota3A : vector<16xi32>
    %add3A_345 = arith.addi %mul3A_342, %add3A_344 : vector<16xi32>
    %swap3A_346 = arith.constant 1 : i32
    %swap3A_347 = arith.index_cast %swap3A_346 : i32 to index
    %swap3A_348 = arith.constant 112 : index
    %swap3A_349 = tpu.vector_load %arg6[%swap3A_347, %swap3A_348] {strides = array<i32>} : memref<4x128xi32, #tpu.memory_space<vmem>>, vector<1x16xi32>,
    %swap3A_350 = vector.shape_cast %swap3A_349 : vector<1x16xi32> to vector<16xi32>
    %swap3A_351 = vector.shape_cast %add3A_345 : vector<16xi32> to vector<1x16xi32>
    tpu.vector_store %arg6[%swap3A_347, %swap3A_348], %swap3A_351 {strides = array<i32>} : memref<4x128xi32, #tpu.memory_space<vmem>>, vector<1x16xi32>,
    %add3A_352 = arith.constant 256 : i32
    %add3A_353 = arith.addi %mul3A_2, %add3A_352 : i32
    %add3A_354 = arith.constant 0 : i32
    %add3A_355 = arith.addi %add3A_353, %add3A_354 : i32
    %get3A_356 = arith.constant 256 : index
    %get3A_357 = tpu.vector_load %arg5[%get3A_356] {strides = array<i32>} : memref<512xi32, #tpu.memory_space<vmem>>, vector<16xi32>,
    %get3A_358 = vector.shape_cast %get3A_357 : vector<16xi32> to vector<16xi32>
    %mul3A_359 = arith.constant 16384 : i32
    %mul3A_360 = vector.broadcast %mul3A_359 : i32 to vector<16xi32>
    %mul3A_361 = arith.muli %get3A_358, %mul3A_360 : vector<16xi32>
    %add3A_362 = vector.broadcast %add3A_355 : i32 to vector<16xi32>
    %add3A_363 = arith.addi %add3A_362, %iota3A : vector<16xi32>
    %add3A_364 = arith.addi %mul3A_361, %add3A_363 : vector<16xi32>
    %swap3A_365 = arith.constant 2 : i32
    %swap3A_366 = arith.index_cast %swap3A_365 : i32 to index
    %swap3A_367 = arith.constant 0 : index
    %swap3A_368 = tpu.vector_load %arg6[%swap3A_366, %swap3A_367] {strides = array<i32>} : memref<4x128xi32, #tpu.memory_space<vmem>>, vector<1x16xi32>,
    %swap3A_369 = vector.shape_cast %swap3A_368 : vector<1x16xi32> to vector<16xi32>
    %swap3A_370 = vector.shape_cast %add3A_364 : vector<16xi32> to vector<1x16xi32>
    tpu.vector_store %arg6[%swap3A_366, %swap3A_367], %swap3A_370 {strides = array<i32>} : memref<4x128xi32, #tpu.memory_space<vmem>>, vector<1x16xi32>,
    %add3A_371 = arith.constant 256 : i32
    %add3A_372 = arith.addi %mul3A_2, %add3A_371 : i32
    %add3A_373 = arith.constant 16 : i32
    %add3A_374 = arith.addi %add3A_372, %add3A_373 : i32
    %get3A_375 = arith.constant 272 : index
    %get3A_376 = tpu.vector_load %arg5[%get3A_375] {strides = array<i32>} : memref<512xi32, #tpu.memory_space<vmem>>, vector<16xi32>,
    %get3A_377 = vector.shape_cast %get3A_376 : vector<16xi32> to vector<16xi32>
    %mul3A_378 = arith.constant 16384 : i32
    %mul3A_379 = vector.broadcast %mul3A_378 : i32 to vector<16xi32>
    %mul3A_380 = arith.muli %get3A_377, %mul3A_379 : vector<16xi32>
    %add3A_381 = vector.broadcast %add3A_374 : i32 to vector<16xi32>
    %add3A_382 = arith.addi %add3A_381, %iota3A : vector<16xi32>
    %add3A_383 = arith.addi %mul3A_380, %add3A_382 : vector<16xi32>
    %swap3A_384 = arith.constant 2 : i32
    %swap3A_385 = arith.index_cast %swap3A_384 : i32 to index
    %swap3A_386 = arith.constant 16 : index
    %swap3A_387 = tpu.vector_load %arg6[%swap3A_385, %swap3A_386] {strides = array<i32>} : memref<4x128xi32, #tpu.memory_space<vmem>>, vector<1x16xi32>,
    %swap3A_388 = vector.shape_cast %swap3A_387 : vector<1x16xi32> to vector<16xi32>
    %swap3A_389 = vector.shape_cast %add3A_383 : vector<16xi32> to vector<1x16xi32>
    tpu.vector_store %arg6[%swap3A_385, %swap3A_386], %swap3A_389 {strides = array<i32>} : memref<4x128xi32, #tpu.memory_space<vmem>>, vector<1x16xi32>,
    %add3A_390 = arith.constant 256 : i32
    %add3A_391 = arith.addi %mul3A_2, %add3A_390 : i32
    %add3A_392 = arith.constant 32 : i32
    %add3A_393 = arith.addi %add3A_391, %add3A_392 : i32
    %get3A_394 = arith.constant 288 : index
    %get3A_395 = tpu.vector_load %arg5[%get3A_394] {strides = array<i32>} : memref<512xi32, #tpu.memory_space<vmem>>, vector<16xi32>,
    %get3A_396 = vector.shape_cast %get3A_395 : vector<16xi32> to vector<16xi32>
    %mul3A_397 = arith.constant 16384 : i32
    %mul3A_398 = vector.broadcast %mul3A_397 : i32 to vector<16xi32>
    %mul3A_399 = arith.muli %get3A_396, %mul3A_398 : vector<16xi32>
    %add3A_400 = vector.broadcast %add3A_393 : i32 to vector<16xi32>
    %add3A_401 = arith.addi %add3A_400, %iota3A : vector<16xi32>
    %add3A_402 = arith.addi %mul3A_399, %add3A_401 : vector<16xi32>
    %swap3A_403 = arith.constant 2 : i32
    %swap3A_404 = arith.index_cast %swap3A_403 : i32 to index
    %swap3A_405 = arith.constant 32 : index
    %swap3A_406 = tpu.vector_load %arg6[%swap3A_404, %swap3A_405] {strides = array<i32>} : memref<4x128xi32, #tpu.memory_space<vmem>>, vector<1x16xi32>,
    %swap3A_407 = vector.shape_cast %swap3A_406 : vector<1x16xi32> to vector<16xi32>
    %swap3A_408 = vector.shape_cast %add3A_402 : vector<16xi32> to vector<1x16xi32>
    tpu.vector_store %arg6[%swap3A_404, %swap3A_405], %swap3A_408 {strides = array<i32>} : memref<4x128xi32, #tpu.memory_space<vmem>>, vector<1x16xi32>,
    %add3A_409 = arith.constant 256 : i32
    %add3A_410 = arith.addi %mul3A_2, %add3A_409 : i32
    %add3A_411 = arith.constant 48 : i32
    %add3A_412 = arith.addi %add3A_410, %add3A_411 : i32
    %get3A_413 = arith.constant 304 : index
    %get3A_414 = tpu.vector_load %arg5[%get3A_413] {strides = array<i32>} : memref<512xi32, #tpu.memory_space<vmem>>, vector<16xi32>,
    %get3A_415 = vector.shape_cast %get3A_414 : vector<16xi32> to vector<16xi32>
    %mul3A_416 = arith.constant 16384 : i32
    %mul3A_417 = vector.broadcast %mul3A_416 : i32 to vector<16xi32>
    %mul3A_418 = arith.muli %get3A_415, %mul3A_417 : vector<16xi32>
    %add3A_419 = vector.broadcast %add3A_412 : i32 to vector<16xi32>
    %add3A_420 = arith.addi %add3A_419, %iota3A : vector<16xi32>
    %add3A_421 = arith.addi %mul3A_418, %add3A_420 : vector<16xi32>
    %swap3A_422 = arith.constant 2 : i32
    %swap3A_423 = arith.index_cast %swap3A_422 : i32 to index
    %swap3A_424 = arith.constant 48 : index
    %swap3A_425 = tpu.vector_load %arg6[%swap3A_423, %swap3A_424] {strides = array<i32>} : memref<4x128xi32, #tpu.memory_space<vmem>>, vector<1x16xi32>,
    %swap3A_426 = vector.shape_cast %swap3A_425 : vector<1x16xi32> to vector<16xi32>
    %swap3A_427 = vector.shape_cast %add3A_421 : vector<16xi32> to vector<1x16xi32>
    tpu.vector_store %arg6[%swap3A_423, %swap3A_424], %swap3A_427 {strides = array<i32>} : memref<4x128xi32, #tpu.memory_space<vmem>>, vector<1x16xi32>,
    %add3A_428 = arith.constant 256 : i32
    %add3A_429 = arith.addi %mul3A_2, %add3A_428 : i32
    %add3A_430 = arith.constant 64 : i32
    %add3A_431 = arith.addi %add3A_429, %add3A_430 : i32
    %get3A_432 = arith.constant 320 : index
    %get3A_433 = tpu.vector_load %arg5[%get3A_432] {strides = array<i32>} : memref<512xi32, #tpu.memory_space<vmem>>, vector<16xi32>,
    %get3A_434 = vector.shape_cast %get3A_433 : vector<16xi32> to vector<16xi32>
    %mul3A_435 = arith.constant 16384 : i32
    %mul3A_436 = vector.broadcast %mul3A_435 : i32 to vector<16xi32>
    %mul3A_437 = arith.muli %get3A_434, %mul3A_436 : vector<16xi32>
    %add3A_438 = vector.broadcast %add3A_431 : i32 to vector<16xi32>
    %add3A_439 = arith.addi %add3A_438, %iota3A : vector<16xi32>
    %add3A_440 = arith.addi %mul3A_437, %add3A_439 : vector<16xi32>
    %swap3A_441 = arith.constant 2 : i32
    %swap3A_442 = arith.index_cast %swap3A_441 : i32 to index
    %swap3A_443 = arith.constant 64 : index
    %swap3A_444 = tpu.vector_load %arg6[%swap3A_442, %swap3A_443] {strides = array<i32>} : memref<4x128xi32, #tpu.memory_space<vmem>>, vector<1x16xi32>,
    %swap3A_445 = vector.shape_cast %swap3A_444 : vector<1x16xi32> to vector<16xi32>
    %swap3A_446 = vector.shape_cast %add3A_440 : vector<16xi32> to vector<1x16xi32>
    tpu.vector_store %arg6[%swap3A_442, %swap3A_443], %swap3A_446 {strides = array<i32>} : memref<4x128xi32, #tpu.memory_space<vmem>>, vector<1x16xi32>,
    %add3A_447 = arith.constant 256 : i32
    %add3A_448 = arith.addi %mul3A_2, %add3A_447 : i32
    %add3A_449 = arith.constant 80 : i32
    %add3A_450 = arith.addi %add3A_448, %add3A_449 : i32
    %get3A_451 = arith.constant 336 : index
    %get3A_452 = tpu.vector_load %arg5[%get3A_451] {strides = array<i32>} : memref<512xi32, #tpu.memory_space<vmem>>, vector<16xi32>,
    %get3A_453 = vector.shape_cast %get3A_452 : vector<16xi32> to vector<16xi32>
    %mul3A_454 = arith.constant 16384 : i32
    %mul3A_455 = vector.broadcast %mul3A_454 : i32 to vector<16xi32>
    %mul3A_456 = arith.muli %get3A_453, %mul3A_455 : vector<16xi32>
    %add3A_457 = vector.broadcast %add3A_450 : i32 to vector<16xi32>
    %add3A_458 = arith.addi %add3A_457, %iota3A : vector<16xi32>
    %add3A_459 = arith.addi %mul3A_456, %add3A_458 : vector<16xi32>
    %swap3A_460 = arith.constant 2 : i32
    %swap3A_461 = arith.index_cast %swap3A_460 : i32 to index
    %swap3A_462 = arith.constant 80 : index
    %swap3A_463 = tpu.vector_load %arg6[%swap3A_461, %swap3A_462] {strides = array<i32>} : memref<4x128xi32, #tpu.memory_space<vmem>>, vector<1x16xi32>,
    %swap3A_464 = vector.shape_cast %swap3A_463 : vector<1x16xi32> to vector<16xi32>
    %swap3A_465 = vector.shape_cast %add3A_459 : vector<16xi32> to vector<1x16xi32>
    tpu.vector_store %arg6[%swap3A_461, %swap3A_462], %swap3A_465 {strides = array<i32>} : memref<4x128xi32, #tpu.memory_space<vmem>>, vector<1x16xi32>,
    %add3A_466 = arith.constant 256 : i32
    %add3A_467 = arith.addi %mul3A_2, %add3A_466 : i32
    %add3A_468 = arith.constant 96 : i32
    %add3A_469 = arith.addi %add3A_467, %add3A_468 : i32
    %get3A_470 = arith.constant 352 : index
    %get3A_471 = tpu.vector_load %arg5[%get3A_470] {strides = array<i32>} : memref<512xi32, #tpu.memory_space<vmem>>, vector<16xi32>,
    %get3A_472 = vector.shape_cast %get3A_471 : vector<16xi32> to vector<16xi32>
    %mul3A_473 = arith.constant 16384 : i32
    %mul3A_474 = vector.broadcast %mul3A_473 : i32 to vector<16xi32>
    %mul3A_475 = arith.muli %get3A_472, %mul3A_474 : vector<16xi32>
    %add3A_476 = vector.broadcast %add3A_469 : i32 to vector<16xi32>
    %add3A_477 = arith.addi %add3A_476, %iota3A : vector<16xi32>
    %add3A_478 = arith.addi %mul3A_475, %add3A_477 : vector<16xi32>
    %swap3A_479 = arith.constant 2 : i32
    %swap3A_480 = arith.index_cast %swap3A_479 : i32 to index
    %swap3A_481 = arith.constant 96 : index
    %swap3A_482 = tpu.vector_load %arg6[%swap3A_480, %swap3A_481] {strides = array<i32>} : memref<4x128xi32, #tpu.memory_space<vmem>>, vector<1x16xi32>,
    %swap3A_483 = vector.shape_cast %swap3A_482 : vector<1x16xi32> to vector<16xi32>
    %swap3A_484 = vector.shape_cast %add3A_478 : vector<16xi32> to vector<1x16xi32>
    tpu.vector_store %arg6[%swap3A_480, %swap3A_481], %swap3A_484 {strides = array<i32>} : memref<4x128xi32, #tpu.memory_space<vmem>>, vector<1x16xi32>,
    %add3A_485 = arith.constant 256 : i32
    %add3A_486 = arith.addi %mul3A_2, %add3A_485 : i32
    %add3A_487 = arith.constant 112 : i32
    %add3A_488 = arith.addi %add3A_486, %add3A_487 : i32
    %get3A_489 = arith.constant 368 : index
    %get3A_490 = tpu.vector_load %arg5[%get3A_489] {strides = array<i32>} : memref<512xi32, #tpu.memory_space<vmem>>, vector<16xi32>,
    %get3A_491 = vector.shape_cast %get3A_490 : vector<16xi32> to vector<16xi32>
    %mul3A_492 = arith.constant 16384 : i32
    %mul3A_493 = vector.broadcast %mul3A_492 : i32 to vector<16xi32>
    %mul3A_494 = arith.muli %get3A_491, %mul3A_493 : vector<16xi32>
    %add3A_495 = vector.broadcast %add3A_488 : i32 to vector<16xi32>
    %add3A_496 = arith.addi %add3A_495, %iota3A : vector<16xi32>
    %add3A_497 = arith.addi %mul3A_494, %add3A_496 : vector<16xi32>
    %swap3A_498 = arith.constant 2 : i32
    %swap3A_499 = arith.index_cast %swap3A_498 : i32 to index
    %swap3A_500 = arith.constant 112 : index
    %swap3A_501 = tpu.vector_load %arg6[%swap3A_499, %swap3A_500] {strides = array<i32>} : memref<4x128xi32, #tpu.memory_space<vmem>>, vector<1x16xi32>,
    %swap3A_502 = vector.shape_cast %swap3A_501 : vector<1x16xi32> to vector<16xi32>
    %swap3A_503 = vector.shape_cast %add3A_497 : vector<16xi32> to vector<1x16xi32>
    tpu.vector_store %arg6[%swap3A_499, %swap3A_500], %swap3A_503 {strides = array<i32>} : memref<4x128xi32, #tpu.memory_space<vmem>>, vector<1x16xi32>,
    %add3A_504 = arith.constant 384 : i32
    %add3A_505 = arith.addi %mul3A_2, %add3A_504 : i32
    %add3A_506 = arith.constant 0 : i32
    %add3A_507 = arith.addi %add3A_505, %add3A_506 : i32
    %get3A_508 = arith.constant 384 : index
    %get3A_509 = tpu.vector_load %arg5[%get3A_508] {strides = array<i32>} : memref<512xi32, #tpu.memory_space<vmem>>, vector<16xi32>,
    %get3A_510 = vector.shape_cast %get3A_509 : vector<16xi32> to vector<16xi32>
    %mul3A_511 = arith.constant 16384 : i32
    %mul3A_512 = vector.broadcast %mul3A_511 : i32 to vector<16xi32>
    %mul3A_513 = arith.muli %get3A_510, %mul3A_512 : vector<16xi32>
    %add3A_514 = vector.broadcast %add3A_507 : i32 to vector<16xi32>
    %add3A_515 = arith.addi %add3A_514, %iota3A : vector<16xi32>
    %add3A_516 = arith.addi %mul3A_513, %add3A_515 : vector<16xi32>
    %swap3A_517 = arith.constant 3 : i32
    %swap3A_518 = arith.index_cast %swap3A_517 : i32 to index
    %swap3A_519 = arith.constant 0 : index
    %swap3A_520 = tpu.vector_load %arg6[%swap3A_518, %swap3A_519] {strides = array<i32>} : memref<4x128xi32, #tpu.memory_space<vmem>>, vector<1x16xi32>,
    %swap3A_521 = vector.shape_cast %swap3A_520 : vector<1x16xi32> to vector<16xi32>
    %swap3A_522 = vector.shape_cast %add3A_516 : vector<16xi32> to vector<1x16xi32>
    tpu.vector_store %arg6[%swap3A_518, %swap3A_519], %swap3A_522 {strides = array<i32>} : memref<4x128xi32, #tpu.memory_space<vmem>>, vector<1x16xi32>,
    %add3A_523 = arith.constant 384 : i32
    %add3A_524 = arith.addi %mul3A_2, %add3A_523 : i32
    %add3A_525 = arith.constant 16 : i32
    %add3A_526 = arith.addi %add3A_524, %add3A_525 : i32
    %get3A_527 = arith.constant 400 : index
    %get3A_528 = tpu.vector_load %arg5[%get3A_527] {strides = array<i32>} : memref<512xi32, #tpu.memory_space<vmem>>, vector<16xi32>,
    %get3A_529 = vector.shape_cast %get3A_528 : vector<16xi32> to vector<16xi32>
    %mul3A_530 = arith.constant 16384 : i32
    %mul3A_531 = vector.broadcast %mul3A_530 : i32 to vector<16xi32>
    %mul3A_532 = arith.muli %get3A_529, %mul3A_531 : vector<16xi32>
    %add3A_533 = vector.broadcast %add3A_526 : i32 to vector<16xi32>
    %add3A_534 = arith.addi %add3A_533, %iota3A : vector<16xi32>
    %add3A_535 = arith.addi %mul3A_532, %add3A_534 : vector<16xi32>
    %swap3A_536 = arith.constant 3 : i32
    %swap3A_537 = arith.index_cast %swap3A_536 : i32 to index
    %swap3A_538 = arith.constant 16 : index
    %swap3A_539 = tpu.vector_load %arg6[%swap3A_537, %swap3A_538] {strides = array<i32>} : memref<4x128xi32, #tpu.memory_space<vmem>>, vector<1x16xi32>,
    %swap3A_540 = vector.shape_cast %swap3A_539 : vector<1x16xi32> to vector<16xi32>
    %swap3A_541 = vector.shape_cast %add3A_535 : vector<16xi32> to vector<1x16xi32>
    tpu.vector_store %arg6[%swap3A_537, %swap3A_538], %swap3A_541 {strides = array<i32>} : memref<4x128xi32, #tpu.memory_space<vmem>>, vector<1x16xi32>,
    %add3A_542 = arith.constant 384 : i32
    %add3A_543 = arith.addi %mul3A_2, %add3A_542 : i32
    %add3A_544 = arith.constant 32 : i32
    %add3A_545 = arith.addi %add3A_543, %add3A_544 : i32
    %get3A_546 = arith.constant 416 : index
    %get3A_547 = tpu.vector_load %arg5[%get3A_546] {strides = array<i32>} : memref<512xi32, #tpu.memory_space<vmem>>, vector<16xi32>,
    %get3A_548 = vector.shape_cast %get3A_547 : vector<16xi32> to vector<16xi32>
    %mul3A_549 = arith.constant 16384 : i32
    %mul3A_550 = vector.broadcast %mul3A_549 : i32 to vector<16xi32>
    %mul3A_551 = arith.muli %get3A_548, %mul3A_550 : vector<16xi32>
    %add3A_552 = vector.broadcast %add3A_545 : i32 to vector<16xi32>
    %add3A_553 = arith.addi %add3A_552, %iota3A : vector<16xi32>
    %add3A_554 = arith.addi %mul3A_551, %add3A_553 : vector<16xi32>
    %swap3A_555 = arith.constant 3 : i32
    %swap3A_556 = arith.index_cast %swap3A_555 : i32 to index
    %swap3A_557 = arith.constant 32 : index
    %swap3A_558 = tpu.vector_load %arg6[%swap3A_556, %swap3A_557] {strides = array<i32>} : memref<4x128xi32, #tpu.memory_space<vmem>>, vector<1x16xi32>,
    %swap3A_559 = vector.shape_cast %swap3A_558 : vector<1x16xi32> to vector<16xi32>
    %swap3A_560 = vector.shape_cast %add3A_554 : vector<16xi32> to vector<1x16xi32>
    tpu.vector_store %arg6[%swap3A_556, %swap3A_557], %swap3A_560 {strides = array<i32>} : memref<4x128xi32, #tpu.memory_space<vmem>>, vector<1x16xi32>,
    %add3A_561 = arith.constant 384 : i32
    %add3A_562 = arith.addi %mul3A_2, %add3A_561 : i32
    %add3A_563 = arith.constant 48 : i32
    %add3A_564 = arith.addi %add3A_562, %add3A_563 : i32
    %get3A_565 = arith.constant 432 : index
    %get3A_566 = tpu.vector_load %arg5[%get3A_565] {strides = array<i32>} : memref<512xi32, #tpu.memory_space<vmem>>, vector<16xi32>,
    %get3A_567 = vector.shape_cast %get3A_566 : vector<16xi32> to vector<16xi32>
    %mul3A_568 = arith.constant 16384 : i32
    %mul3A_569 = vector.broadcast %mul3A_568 : i32 to vector<16xi32>
    %mul3A_570 = arith.muli %get3A_567, %mul3A_569 : vector<16xi32>
    %add3A_571 = vector.broadcast %add3A_564 : i32 to vector<16xi32>
    %add3A_572 = arith.addi %add3A_571, %iota3A : vector<16xi32>
    %add3A_573 = arith.addi %mul3A_570, %add3A_572 : vector<16xi32>
    %swap3A_574 = arith.constant 3 : i32
    %swap3A_575 = arith.index_cast %swap3A_574 : i32 to index
    %swap3A_576 = arith.constant 48 : index
    %swap3A_577 = tpu.vector_load %arg6[%swap3A_575, %swap3A_576] {strides = array<i32>} : memref<4x128xi32, #tpu.memory_space<vmem>>, vector<1x16xi32>,
    %swap3A_578 = vector.shape_cast %swap3A_577 : vector<1x16xi32> to vector<16xi32>
    %swap3A_579 = vector.shape_cast %add3A_573 : vector<16xi32> to vector<1x16xi32>
    tpu.vector_store %arg6[%swap3A_575, %swap3A_576], %swap3A_579 {strides = array<i32>} : memref<4x128xi32, #tpu.memory_space<vmem>>, vector<1x16xi32>,
    %add3A_580 = arith.constant 384 : i32
    %add3A_581 = arith.addi %mul3A_2, %add3A_580 : i32
    %add3A_582 = arith.constant 64 : i32
    %add3A_583 = arith.addi %add3A_581, %add3A_582 : i32
    %get3A_584 = arith.constant 448 : index
    %get3A_585 = tpu.vector_load %arg5[%get3A_584] {strides = array<i32>} : memref<512xi32, #tpu.memory_space<vmem>>, vector<16xi32>,
    %get3A_586 = vector.shape_cast %get3A_585 : vector<16xi32> to vector<16xi32>
    %mul3A_587 = arith.constant 16384 : i32
    %mul3A_588 = vector.broadcast %mul3A_587 : i32 to vector<16xi32>
    %mul3A_589 = arith.muli %get3A_586, %mul3A_588 : vector<16xi32>
    %add3A_590 = vector.broadcast %add3A_583 : i32 to vector<16xi32>
    %add3A_591 = arith.addi %add3A_590, %iota3A : vector<16xi32>
    %add3A_592 = arith.addi %mul3A_589, %add3A_591 : vector<16xi32>
    %swap3A_593 = arith.constant 3 : i32
    %swap3A_594 = arith.index_cast %swap3A_593 : i32 to index
    %swap3A_595 = arith.constant 64 : index
    %swap3A_596 = tpu.vector_load %arg6[%swap3A_594, %swap3A_595] {strides = array<i32>} : memref<4x128xi32, #tpu.memory_space<vmem>>, vector<1x16xi32>,
    %swap3A_597 = vector.shape_cast %swap3A_596 : vector<1x16xi32> to vector<16xi32>
    %swap3A_598 = vector.shape_cast %add3A_592 : vector<16xi32> to vector<1x16xi32>
    tpu.vector_store %arg6[%swap3A_594, %swap3A_595], %swap3A_598 {strides = array<i32>} : memref<4x128xi32, #tpu.memory_space<vmem>>, vector<1x16xi32>,
    %add3A_599 = arith.constant 384 : i32
    %add3A_600 = arith.addi %mul3A_2, %add3A_599 : i32
    %add3A_601 = arith.constant 80 : i32
    %add3A_602 = arith.addi %add3A_600, %add3A_601 : i32
    %get3A_603 = arith.constant 464 : index
    %get3A_604 = tpu.vector_load %arg5[%get3A_603] {strides = array<i32>} : memref<512xi32, #tpu.memory_space<vmem>>, vector<16xi32>,
    %get3A_605 = vector.shape_cast %get3A_604 : vector<16xi32> to vector<16xi32>
    %mul3A_606 = arith.constant 16384 : i32
    %mul3A_607 = vector.broadcast %mul3A_606 : i32 to vector<16xi32>
    %mul3A_608 = arith.muli %get3A_605, %mul3A_607 : vector<16xi32>
    %add3A_609 = vector.broadcast %add3A_602 : i32 to vector<16xi32>
    %add3A_610 = arith.addi %add3A_609, %iota3A : vector<16xi32>
    %add3A_611 = arith.addi %mul3A_608, %add3A_610 : vector<16xi32>
    %swap3A_612 = arith.constant 3 : i32
    %swap3A_613 = arith.index_cast %swap3A_612 : i32 to index
    %swap3A_614 = arith.constant 80 : index
    %swap3A_615 = tpu.vector_load %arg6[%swap3A_613, %swap3A_614] {strides = array<i32>} : memref<4x128xi32, #tpu.memory_space<vmem>>, vector<1x16xi32>,
    %swap3A_616 = vector.shape_cast %swap3A_615 : vector<1x16xi32> to vector<16xi32>
    %swap3A_617 = vector.shape_cast %add3A_611 : vector<16xi32> to vector<1x16xi32>
    tpu.vector_store %arg6[%swap3A_613, %swap3A_614], %swap3A_617 {strides = array<i32>} : memref<4x128xi32, #tpu.memory_space<vmem>>, vector<1x16xi32>,
    %add3A_618 = arith.constant 384 : i32
    %add3A_619 = arith.addi %mul3A_2, %add3A_618 : i32
    %add3A_620 = arith.constant 96 : i32
    %add3A_621 = arith.addi %add3A_619, %add3A_620 : i32
    %get3A_622 = arith.constant 480 : index
    %get3A_623 = tpu.vector_load %arg5[%get3A_622] {strides = array<i32>} : memref<512xi32, #tpu.memory_space<vmem>>, vector<16xi32>,
    %get3A_624 = vector.shape_cast %get3A_623 : vector<16xi32> to vector<16xi32>
    %mul3A_625 = arith.constant 16384 : i32
    %mul3A_626 = vector.broadcast %mul3A_625 : i32 to vector<16xi32>
    %mul3A_627 = arith.muli %get3A_624, %mul3A_626 : vector<16xi32>
    %add3A_628 = vector.broadcast %add3A_621 : i32 to vector<16xi32>
    %add3A_629 = arith.addi %add3A_628, %iota3A : vector<16xi32>
    %add3A_630 = arith.addi %mul3A_627, %add3A_629 : vector<16xi32>
    %swap3A_631 = arith.constant 3 : i32
    %swap3A_632 = arith.index_cast %swap3A_631 : i32 to index
    %swap3A_633 = arith.constant 96 : index
    %swap3A_634 = tpu.vector_load %arg6[%swap3A_632, %swap3A_633] {strides = array<i32>} : memref<4x128xi32, #tpu.memory_space<vmem>>, vector<1x16xi32>,
    %swap3A_635 = vector.shape_cast %swap3A_634 : vector<1x16xi32> to vector<16xi32>
    %swap3A_636 = vector.shape_cast %add3A_630 : vector<16xi32> to vector<1x16xi32>
    tpu.vector_store %arg6[%swap3A_632, %swap3A_633], %swap3A_636 {strides = array<i32>} : memref<4x128xi32, #tpu.memory_space<vmem>>, vector<1x16xi32>,
    %add3A_637 = arith.constant 384 : i32
    %add3A_638 = arith.addi %mul3A_2, %add3A_637 : i32
    %add3A_639 = arith.constant 112 : i32
    %add3A_640 = arith.addi %add3A_638, %add3A_639 : i32
    %get3A_641 = arith.constant 496 : index
    %get3A_642 = tpu.vector_load %arg5[%get3A_641] {strides = array<i32>} : memref<512xi32, #tpu.memory_space<vmem>>, vector<16xi32>,
    %get3A_643 = vector.shape_cast %get3A_642 : vector<16xi32> to vector<16xi32>
    %mul3A_644 = arith.constant 16384 : i32
    %mul3A_645 = vector.broadcast %mul3A_644 : i32 to vector<16xi32>
    %mul3A_646 = arith.muli %get3A_643, %mul3A_645 : vector<16xi32>
    %add3A_647 = vector.broadcast %add3A_640 : i32 to vector<16xi32>
    %add3A_648 = arith.addi %add3A_647, %iota3A : vector<16xi32>
    %add3A_649 = arith.addi %mul3A_646, %add3A_648 : vector<16xi32>
    %swap3A_650 = arith.constant 3 : i32
    %swap3A_651 = arith.index_cast %swap3A_650 : i32 to index
    %swap3A_652 = arith.constant 112 : index
    %swap3A_653 = tpu.vector_load %arg6[%swap3A_651, %swap3A_652] {strides = array<i32>} : memref<4x128xi32, #tpu.memory_space<vmem>>, vector<1x16xi32>,
    %swap3A_654 = vector.shape_cast %swap3A_653 : vector<1x16xi32> to vector<16xi32>
    %swap3A_655 = vector.shape_cast %add3A_649 : vector<16xi32> to vector<1x16xi32>
    tpu.vector_store %arg6[%swap3A_651, %swap3A_652], %swap3A_655 {strides = array<i32>} : memref<4x128xi32, #tpu.memory_space<vmem>>, vector<1x16xi32>,
    %dma_start3A = arith.constant 0 : i32
    %dma_start3A_656 = arith.constant 0 : i32
    %dma_start3A_657 = tpu.memref_slice %arg6[%dma_start3A, %dma_start3A_656] : memref<4x128xi32, #tpu.memory_space<vmem>> -> memref<1x128xi32, #tpu.memory_space<vmem>>
    %dma_start3A_658 = tpu.memref_squeeze %dma_start3A_657 : memref<1x128xi32, #tpu.memory_space<vmem>> -> memref<128xi32, #tpu.memory_space<vmem>>
    %dma_start3A_659 = arith.constant 0 : i32
    %dma_start3A_660 = tpu.memref_slice %arg4[%dma_start3A_659] : memref<16384000xf32, #tpu.memory_space<hbm>> -> memref<16384000xf32, #tpu.memory_space<hbm>>
    tpu.enqueue_indirect_dma source(%arg7 : memref<128xf32, #tpu.memory_space<vmem>>) target(%dma_start3A_660 : memref<16384000xf32, #tpu.memory_space<hbm>>) offsets(%dma_start3A_658 : memref<128xi32, #tpu.memory_space<vmem>>) semaphore(%arg8 : memref<!tpu.dma_semaphore, #tpu.memory_space<semaphore_mem>>)
    %dma_start3A_661 = arith.constant 1 : i32
    %dma_start3A_662 = arith.constant 0 : i32
    %dma_start3A_663 = tpu.memref_slice %arg6[%dma_start3A_661, %dma_start3A_662] : memref<4x128xi32, #tpu.memory_space<vmem>> -> memref<1x128xi32, #tpu.memory_space<vmem>>
    %dma_start3A_664 = tpu.memref_squeeze %dma_start3A_663 : memref<1x128xi32, #tpu.memory_space<vmem>> -> memref<128xi32, #tpu.memory_space<vmem>>
    %dma_start3A_665 = arith.constant 0 : i32
    %dma_start3A_666 = tpu.memref_slice %arg4[%dma_start3A_665] : memref<16384000xf32, #tpu.memory_space<hbm>> -> memref<16384000xf32, #tpu.memory_space<hbm>>
    tpu.enqueue_indirect_dma source(%arg7 : memref<128xf32, #tpu.memory_space<vmem>>) target(%dma_start3A_666 : memref<16384000xf32, #tpu.memory_space<hbm>>) offsets(%dma_start3A_664 : memref<128xi32, #tpu.memory_space<vmem>>) semaphore(%arg8 : memref<!tpu.dma_semaphore, #tpu.memory_space<semaphore_mem>>)
    %dma_start3A_667 = arith.constant 2 : i32
    %dma_start3A_668 = arith.constant 0 : i32
    %dma_start3A_669 = tpu.memref_slice %arg6[%dma_start3A_667, %dma_start3A_668] : memref<4x128xi32, #tpu.memory_space<vmem>> -> memref<1x128xi32, #tpu.memory_space<vmem>>
    %dma_start3A_670 = tpu.memref_squeeze %dma_start3A_669 : memref<1x128xi32, #tpu.memory_space<vmem>> -> memref<128xi32, #tpu.memory_space<vmem>>
    %dma_start3A_671 = arith.constant 0 : i32
    %dma_start3A_672 = tpu.memref_slice %arg4[%dma_start3A_671] : memref<16384000xf32, #tpu.memory_space<hbm>> -> memref<16384000xf32, #tpu.memory_space<hbm>>
    tpu.enqueue_indirect_dma source(%arg7 : memref<128xf32, #tpu.memory_space<vmem>>) target(%dma_start3A_672 : memref<16384000xf32, #tpu.memory_space<hbm>>) offsets(%dma_start3A_670 : memref<128xi32, #tpu.memory_space<vmem>>) semaphore(%arg8 : memref<!tpu.dma_semaphore, #tpu.memory_space<semaphore_mem>>)
    %dma_start3A_673 = arith.constant 3 : i32
    %dma_start3A_674 = arith.constant 0 : i32
    %dma_start3A_675 = tpu.memref_slice %arg6[%dma_start3A_673, %dma_start3A_674] : memref<4x128xi32, #tpu.memory_space<vmem>> -> memref<1x128xi32, #tpu.memory_space<vmem>>
    %dma_start3A_676 = tpu.memref_squeeze %dma_start3A_675 : memref<1x128xi32, #tpu.memory_space<vmem>> -> memref<128xi32, #tpu.memory_space<vmem>>
    %dma_start3A_677 = arith.constant 0 : i32
    %dma_start3A_678 = tpu.memref_slice %arg4[%dma_start3A_677] : memref<16384000xf32, #tpu.memory_space<hbm>> -> memref<16384000xf32, #tpu.memory_space<hbm>>
    tpu.enqueue_indirect_dma source(%arg7 : memref<128xf32, #tpu.memory_space<vmem>>) target(%dma_start3A_678 : memref<16384000xf32, #tpu.memory_space<hbm>>) offsets(%dma_start3A_676 : memref<128xi32, #tpu.memory_space<vmem>>) semaphore(%arg8 : memref<!tpu.dma_semaphore, #tpu.memory_space<semaphore_mem>>)
    %dma_wait3A = arith.constant 0 : i32
    %dma_wait3A_679 = arith.constant 0 : i32
    %dma_wait3A_680 = tpu.memref_slice %arg6[%dma_wait3A, %dma_wait3A_679] : memref<4x128xi32, #tpu.memory_space<vmem>> -> memref<1x128xi32, #tpu.memory_space<vmem>>
    %dma_wait3A_681 = tpu.memref_squeeze %dma_wait3A_680 : memref<1x128xi32, #tpu.memory_space<vmem>> -> memref<128xi32, #tpu.memory_space<vmem>>
    %dma_wait3A_682 = arith.constant 0 : i32
    %dma_wait3A_683 = tpu.memref_slice %arg4[%dma_wait3A_682] : memref<16384000xf32, #tpu.memory_space<hbm>> -> memref<16384000xf32, #tpu.memory_space<hbm>>
    tpu.wait_indirect_dma semaphore(%arg8 : memref<!tpu.dma_semaphore, #tpu.memory_space<semaphore_mem>>) src(%arg7 : memref<128xf32, #tpu.memory_space<vmem>>) dst(%dma_wait3A_683 : memref<16384000xf32, #tpu.memory_space<hbm>>)
    %dma_wait3A_684 = arith.constant 1 : i32
    %dma_wait3A_685 = arith.constant 0 : i32
    %dma_wait3A_686 = tpu.memref_slice %arg6[%dma_wait3A_684, %dma_wait3A_685] : memref<4x128xi32, #tpu.memory_space<vmem>> -> memref<1x128xi32, #tpu.memory_space<vmem>>
    %dma_wait3A_687 = tpu.memref_squeeze %dma_wait3A_686 : memref<1x128xi32, #tpu.memory_space<vmem>> -> memref<128xi32, #tpu.memory_space<vmem>>
    %dma_wait3A_688 = arith.constant 0 : i32
    %dma_wait3A_689 = tpu.memref_slice %arg4[%dma_wait3A_688] : memref<16384000xf32, #tpu.memory_space<hbm>> -> memref<16384000xf32, #tpu.memory_space<hbm>>
    tpu.wait_indirect_dma semaphore(%arg8 : memref<!tpu.dma_semaphore, #tpu.memory_space<semaphore_mem>>) src(%arg7 : memref<128xf32, #tpu.memory_space<vmem>>) dst(%dma_wait3A_689 : memref<16384000xf32, #tpu.memory_space<hbm>>)
    %dma_wait3A_690 = arith.constant 2 : i32
    %dma_wait3A_691 = arith.constant 0 : i32
    %dma_wait3A_692 = tpu.memref_slice %arg6[%dma_wait3A_690, %dma_wait3A_691] : memref<4x128xi32, #tpu.memory_space<vmem>> -> memref<1x128xi32, #tpu.memory_space<vmem>>
    %dma_wait3A_693 = tpu.memref_squeeze %dma_wait3A_692 : memref<1x128xi32, #tpu.memory_space<vmem>> -> memref<128xi32, #tpu.memory_space<vmem>>
    %dma_wait3A_694 = arith.constant 0 : i32
    %dma_wait3A_695 = tpu.memref_slice %arg4[%dma_wait3A_694] : memref<16384000xf32, #tpu.memory_space<hbm>> -> memref<16384000xf32, #tpu.memory_space<hbm>>
    tpu.wait_indirect_dma semaphore(%arg8 : memref<!tpu.dma_semaphore, #tpu.memory_space<semaphore_mem>>) src(%arg7 : memref<128xf32, #tpu.memory_space<vmem>>) dst(%dma_wait3A_695 : memref<16384000xf32, #tpu.memory_space<hbm>>)
    %dma_wait3A_696 = arith.constant 3 : i32
    %dma_wait3A_697 = arith.constant 0 : i32
    %dma_wait3A_698 = tpu.memref_slice %arg6[%dma_wait3A_696, %dma_wait3A_697] : memref<4x128xi32, #tpu.memory_space<vmem>> -> memref<1x128xi32, #tpu.memory_space<vmem>>
    %dma_wait3A_699 = tpu.memref_squeeze %dma_wait3A_698 : memref<1x128xi32, #tpu.memory_space<vmem>> -> memref<128xi32, #tpu.memory_space<vmem>>
    %dma_wait3A_700 = arith.constant 0 : i32
    %dma_wait3A_701 = tpu.memref_slice %arg4[%dma_wait3A_700] : memref<16384000xf32, #tpu.memory_space<hbm>> -> memref<16384000xf32, #tpu.memory_space<hbm>>
    tpu.wait_indirect_dma semaphore(%arg8 : memref<!tpu.dma_semaphore, #tpu.memory_space<semaphore_mem>>) src(%arg7 : memref<128xf32, #tpu.memory_space<vmem>>) dst(%dma_wait3A_701 : memref<16384000xf32, #tpu.memory_space<hbm>>)
    return
  }
}

#map = affine_map<(d0, d1) -> (0)>
module attributes {stable_mosaic.version = 14 : i64} {
  func.func @_zeros_k(%arg0: i32, %arg1: i32, %arg2: memref<16384000xf32, #tpu.memory_space<hbm>>, %arg3: memref<64000xf32, #tpu.memory_space<vmem>>, %arg4: memref<!tpu.dma_semaphore, #tpu.memory_space<semaphore_mem>>) attributes {dimension_semantics = [#tpu.dimension_semantics<core_parallel>, #tpu.dimension_semantics<subcore_parallel>], iteration_bounds = array<i64: 2, 16>, scalar_prefetch = 0 : i64, scratch_operands = 2 : i64, tpu.core_type = #tpu.core_type<sc_vector_subcore>, window_params = [{transform_indices = #map}]} {
    %mul3A = arith.constant 2 : i32
    %mul3A_0 = arith.muli %arg1, %mul3A : i32
    %add3A = arith.addi %mul3A_0, %arg0 : i32
    %mul3A_1 = arith.constant 512000 : i32
    %mul3A_2 = arith.muli %add3A, %mul3A_1 : i32
    %broadcast_in_dim3A = arith.constant 0.000000e+00 : f32
    %broadcast_in_dim3A_3 = vector.broadcast %broadcast_in_dim3A : f32 to vector<16xf32>
    %scan3A = arith.constant 0 : i32
    %scan3A_4 = arith.constant 0 : i32
    %scan3A_5 = arith.constant 4000 : i32
    %scan3A_6 = arith.addi %scan3A_4, %scan3A_5 : i32
    %scan3A_7 = arith.constant 1 : i32
    scf.for %scan3A_71 = %scan3A_4 to %scan3A_6 step %scan3A_7  : i32 {
      %mul3A_72 = arith.constant 16 : i32
      %mul3A_73 = arith.muli %scan3A_71, %mul3A_72 : i32
      %swap3A = arith.index_cast %mul3A_73 : i32 to index
      %swap3A_74 = tpu.vector_load %arg3[%swap3A] {strides = array<i32>} : memref<64000xf32, #tpu.memory_space<vmem>>, vector<16xf32>,
      %swap3A_75 = vector.shape_cast %swap3A_74 : vector<16xf32> to vector<16xf32>
      %swap3A_76 = vector.shape_cast %broadcast_in_dim3A_3 : vector<16xf32> to vector<16xf32>
      tpu.vector_store %arg3[%swap3A], %swap3A_76 {strides = array<i32>} : memref<64000xf32, #tpu.memory_space<vmem>>, vector<16xf32>,
    }
    %scan3A_8 = arith.constant 4000 : i32
    %add3A_9 = arith.constant 0 : i32
    %add3A_10 = arith.addi %mul3A_2, %add3A_9 : i32
    %dma_start3A = tpu.memref_slice %arg2[%add3A_10] : memref<16384000xf32, #tpu.memory_space<hbm>> -> memref<64000xf32, #tpu.memory_space<hbm>>
    %dma_start3A_11 = tpu.memref_slice %arg2[%add3A_10] : memref<16384000xf32, #tpu.memory_space<hbm>> -> memref<64000xf32, #tpu.memory_space<hbm>>
    tpu.enqueue_dma source(%arg3 : memref<64000xf32, #tpu.memory_space<vmem>>) target(%dma_start3A_11 : memref<64000xf32, #tpu.memory_space<hbm>>) target_semaphore(%arg4 : memref<!tpu.dma_semaphore, #tpu.memory_space<semaphore_mem>>)
    %add3A_12 = arith.constant 64000 : i32
    %add3A_13 = arith.addi %mul3A_2, %add3A_12 : i32
    %dma_start3A_14 = tpu.memref_slice %arg2[%add3A_13] : memref<16384000xf32, #tpu.memory_space<hbm>> -> memref<64000xf32, #tpu.memory_space<hbm>>
    %dma_start3A_15 = tpu.memref_slice %arg2[%add3A_13] : memref<16384000xf32, #tpu.memory_space<hbm>> -> memref<64000xf32, #tpu.memory_space<hbm>>
    tpu.enqueue_dma source(%arg3 : memref<64000xf32, #tpu.memory_space<vmem>>) target(%dma_start3A_15 : memref<64000xf32, #tpu.memory_space<hbm>>) target_semaphore(%arg4 : memref<!tpu.dma_semaphore, #tpu.memory_space<semaphore_mem>>)
    %add3A_16 = arith.constant 128000 : i32
    %add3A_17 = arith.addi %mul3A_2, %add3A_16 : i32
    %dma_start3A_18 = tpu.memref_slice %arg2[%add3A_17] : memref<16384000xf32, #tpu.memory_space<hbm>> -> memref<64000xf32, #tpu.memory_space<hbm>>
    %dma_start3A_19 = tpu.memref_slice %arg2[%add3A_17] : memref<16384000xf32, #tpu.memory_space<hbm>> -> memref<64000xf32, #tpu.memory_space<hbm>>
    tpu.enqueue_dma source(%arg3 : memref<64000xf32, #tpu.memory_space<vmem>>) target(%dma_start3A_19 : memref<64000xf32, #tpu.memory_space<hbm>>) target_semaphore(%arg4 : memref<!tpu.dma_semaphore, #tpu.memory_space<semaphore_mem>>)
    %add3A_20 = arith.constant 192000 : i32
    %add3A_21 = arith.addi %mul3A_2, %add3A_20 : i32
    %dma_start3A_22 = tpu.memref_slice %arg2[%add3A_21] : memref<16384000xf32, #tpu.memory_space<hbm>> -> memref<64000xf32, #tpu.memory_space<hbm>>
    %dma_start3A_23 = tpu.memref_slice %arg2[%add3A_21] : memref<16384000xf32, #tpu.memory_space<hbm>> -> memref<64000xf32, #tpu.memory_space<hbm>>
    tpu.enqueue_dma source(%arg3 : memref<64000xf32, #tpu.memory_space<vmem>>) target(%dma_start3A_23 : memref<64000xf32, #tpu.memory_space<hbm>>) target_semaphore(%arg4 : memref<!tpu.dma_semaphore, #tpu.memory_space<semaphore_mem>>)
    %add3A_24 = arith.constant 256000 : i32
    %add3A_25 = arith.addi %mul3A_2, %add3A_24 : i32
    %dma_start3A_26 = tpu.memref_slice %arg2[%add3A_25] : memref<16384000xf32, #tpu.memory_space<hbm>> -> memref<64000xf32, #tpu.memory_space<hbm>>
    %dma_start3A_27 = tpu.memref_slice %arg2[%add3A_25] : memref<16384000xf32, #tpu.memory_space<hbm>> -> memref<64000xf32, #tpu.memory_space<hbm>>
    tpu.enqueue_dma source(%arg3 : memref<64000xf32, #tpu.memory_space<vmem>>) target(%dma_start3A_27 : memref<64000xf32, #tpu.memory_space<hbm>>) target_semaphore(%arg4 : memref<!tpu.dma_semaphore, #tpu.memory_space<semaphore_mem>>)
    %add3A_28 = arith.constant 320000 : i32
    %add3A_29 = arith.addi %mul3A_2, %add3A_28 : i32
    %dma_start3A_30 = tpu.memref_slice %arg2[%add3A_29] : memref<16384000xf32, #tpu.memory_space<hbm>> -> memref<64000xf32, #tpu.memory_space<hbm>>
    %dma_start3A_31 = tpu.memref_slice %arg2[%add3A_29] : memref<16384000xf32, #tpu.memory_space<hbm>> -> memref<64000xf32, #tpu.memory_space<hbm>>
    tpu.enqueue_dma source(%arg3 : memref<64000xf32, #tpu.memory_space<vmem>>) target(%dma_start3A_31 : memref<64000xf32, #tpu.memory_space<hbm>>) target_semaphore(%arg4 : memref<!tpu.dma_semaphore, #tpu.memory_space<semaphore_mem>>)
    %add3A_32 = arith.constant 384000 : i32
    %add3A_33 = arith.addi %mul3A_2, %add3A_32 : i32
    %dma_start3A_34 = tpu.memref_slice %arg2[%add3A_33] : memref<16384000xf32, #tpu.memory_space<hbm>> -> memref<64000xf32, #tpu.memory_space<hbm>>
    %dma_start3A_35 = tpu.memref_slice %arg2[%add3A_33] : memref<16384000xf32, #tpu.memory_space<hbm>> -> memref<64000xf32, #tpu.memory_space<hbm>>
    tpu.enqueue_dma source(%arg3 : memref<64000xf32, #tpu.memory_space<vmem>>) target(%dma_start3A_35 : memref<64000xf32, #tpu.memory_space<hbm>>) target_semaphore(%arg4 : memref<!tpu.dma_semaphore, #tpu.memory_space<semaphore_mem>>)
    %add3A_36 = arith.constant 448000 : i32
    %add3A_37 = arith.addi %mul3A_2, %add3A_36 : i32
    %dma_start3A_38 = tpu.memref_slice %arg2[%add3A_37] : memref<16384000xf32, #tpu.memory_space<hbm>> -> memref<64000xf32, #tpu.memory_space<hbm>>
    %dma_start3A_39 = tpu.memref_slice %arg2[%add3A_37] : memref<16384000xf32, #tpu.memory_space<hbm>> -> memref<64000xf32, #tpu.memory_space<hbm>>
    tpu.enqueue_dma source(%arg3 : memref<64000xf32, #tpu.memory_space<vmem>>) target(%dma_start3A_39 : memref<64000xf32, #tpu.memory_space<hbm>>) target_semaphore(%arg4 : memref<!tpu.dma_semaphore, #tpu.memory_space<semaphore_mem>>)
    %add3A_40 = arith.constant 0 : i32
    %add3A_41 = arith.addi %mul3A_2, %add3A_40 : i32
    %dma_wait3A = tpu.memref_slice %arg2[%add3A_41] : memref<16384000xf32, #tpu.memory_space<hbm>> -> memref<64000xf32, #tpu.memory_space<hbm>>
    %dma_wait3A_42 = tpu.memref_slice %arg2[%add3A_41] : memref<16384000xf32, #tpu.memory_space<hbm>> -> memref<64000xf32, #tpu.memory_space<hbm>>
    tpu.wait_dma2 semaphore(%arg4 : memref<!tpu.dma_semaphore, #tpu.memory_space<semaphore_mem>>) src(%dma_wait3A_42 : memref<64000xf32, #tpu.memory_space<hbm>>) dst(%arg3 : memref<64000xf32, #tpu.memory_space<vmem>>)
    %add3A_43 = arith.constant 64000 : i32
    %add3A_44 = arith.addi %mul3A_2, %add3A_43 : i32
    %dma_wait3A_45 = tpu.memref_slice %arg2[%add3A_44] : memref<16384000xf32, #tpu.memory_space<hbm>> -> memref<64000xf32, #tpu.memory_space<hbm>>
    %dma_wait3A_46 = tpu.memref_slice %arg2[%add3A_44] : memref<16384000xf32, #tpu.memory_space<hbm>> -> memref<64000xf32, #tpu.memory_space<hbm>>
    tpu.wait_dma2 semaphore(%arg4 : memref<!tpu.dma_semaphore, #tpu.memory_space<semaphore_mem>>) src(%dma_wait3A_46 : memref<64000xf32, #tpu.memory_space<hbm>>) dst(%arg3 : memref<64000xf32, #tpu.memory_space<vmem>>)
    %add3A_47 = arith.constant 128000 : i32
    %add3A_48 = arith.addi %mul3A_2, %add3A_47 : i32
    %dma_wait3A_49 = tpu.memref_slice %arg2[%add3A_48] : memref<16384000xf32, #tpu.memory_space<hbm>> -> memref<64000xf32, #tpu.memory_space<hbm>>
    %dma_wait3A_50 = tpu.memref_slice %arg2[%add3A_48] : memref<16384000xf32, #tpu.memory_space<hbm>> -> memref<64000xf32, #tpu.memory_space<hbm>>
    tpu.wait_dma2 semaphore(%arg4 : memref<!tpu.dma_semaphore, #tpu.memory_space<semaphore_mem>>) src(%dma_wait3A_50 : memref<64000xf32, #tpu.memory_space<hbm>>) dst(%arg3 : memref<64000xf32, #tpu.memory_space<vmem>>)
    %add3A_51 = arith.constant 192000 : i32
    %add3A_52 = arith.addi %mul3A_2, %add3A_51 : i32
    %dma_wait3A_53 = tpu.memref_slice %arg2[%add3A_52] : memref<16384000xf32, #tpu.memory_space<hbm>> -> memref<64000xf32, #tpu.memory_space<hbm>>
    %dma_wait3A_54 = tpu.memref_slice %arg2[%add3A_52] : memref<16384000xf32, #tpu.memory_space<hbm>> -> memref<64000xf32, #tpu.memory_space<hbm>>
    tpu.wait_dma2 semaphore(%arg4 : memref<!tpu.dma_semaphore, #tpu.memory_space<semaphore_mem>>) src(%dma_wait3A_54 : memref<64000xf32, #tpu.memory_space<hbm>>) dst(%arg3 : memref<64000xf32, #tpu.memory_space<vmem>>)
    %add3A_55 = arith.constant 256000 : i32
    %add3A_56 = arith.addi %mul3A_2, %add3A_55 : i32
    %dma_wait3A_57 = tpu.memref_slice %arg2[%add3A_56] : memref<16384000xf32, #tpu.memory_space<hbm>> -> memref<64000xf32, #tpu.memory_space<hbm>>
    %dma_wait3A_58 = tpu.memref_slice %arg2[%add3A_56] : memref<16384000xf32, #tpu.memory_space<hbm>> -> memref<64000xf32, #tpu.memory_space<hbm>>
    tpu.wait_dma2 semaphore(%arg4 : memref<!tpu.dma_semaphore, #tpu.memory_space<semaphore_mem>>) src(%dma_wait3A_58 : memref<64000xf32, #tpu.memory_space<hbm>>) dst(%arg3 : memref<64000xf32, #tpu.memory_space<vmem>>)
    %add3A_59 = arith.constant 320000 : i32
    %add3A_60 = arith.addi %mul3A_2, %add3A_59 : i32
    %dma_wait3A_61 = tpu.memref_slice %arg2[%add3A_60] : memref<16384000xf32, #tpu.memory_space<hbm>> -> memref<64000xf32, #tpu.memory_space<hbm>>
    %dma_wait3A_62 = tpu.memref_slice %arg2[%add3A_60] : memref<16384000xf32, #tpu.memory_space<hbm>> -> memref<64000xf32, #tpu.memory_space<hbm>>
    tpu.wait_dma2 semaphore(%arg4 : memref<!tpu.dma_semaphore, #tpu.memory_space<semaphore_mem>>) src(%dma_wait3A_62 : memref<64000xf32, #tpu.memory_space<hbm>>) dst(%arg3 : memref<64000xf32, #tpu.memory_space<vmem>>)
    %add3A_63 = arith.constant 384000 : i32
    %add3A_64 = arith.addi %mul3A_2, %add3A_63 : i32
    %dma_wait3A_65 = tpu.memref_slice %arg2[%add3A_64] : memref<16384000xf32, #tpu.memory_space<hbm>> -> memref<64000xf32, #tpu.memory_space<hbm>>
    %dma_wait3A_66 = tpu.memref_slice %arg2[%add3A_64] : memref<16384000xf32, #tpu.memory_space<hbm>> -> memref<64000xf32, #tpu.memory_space<hbm>>
    tpu.wait_dma2 semaphore(%arg4 : memref<!tpu.dma_semaphore, #tpu.memory_space<semaphore_mem>>) src(%dma_wait3A_66 : memref<64000xf32, #tpu.memory_space<hbm>>) dst(%arg3 : memref<64000xf32, #tpu.memory_space<vmem>>)
    %add3A_67 = arith.constant 448000 : i32
    %add3A_68 = arith.addi %mul3A_2, %add3A_67 : i32
    %dma_wait3A_69 = tpu.memref_slice %arg2[%add3A_68] : memref<16384000xf32, #tpu.memory_space<hbm>> -> memref<64000xf32, #tpu.memory_space<hbm>>
    %dma_wait3A_70 = tpu.memref_slice %arg2[%add3A_68] : memref<16384000xf32, #tpu.memory_space<hbm>> -> memref<64000xf32, #tpu.memory_space<hbm>>
    tpu.wait_dma2 semaphore(%arg4 : memref<!tpu.dma_semaphore, #tpu.memory_space<semaphore_mem>>) src(%dma_wait3A_70 : memref<64000xf32, #tpu.memory_space<hbm>>) dst(%arg3 : memref<64000xf32, #tpu.memory_space<vmem>>)
    return
  }
}

</mosaic_0001>

<sc_bundles>
// kernel: kernel.4.cloned.1.call-start
scs
__scs_entry_jumppad:
0x0: {  	(pc) =	sbr.rel $0x88, $3  }
0x1: {  	(tag) =	ssettag $0x0;
	lr =	simm.s32 $0x1  }
0x2: {  	[smem:$0x3FA0] =	sst lr;
	_ =	strace $0xD0000000  }
0x3: {  	_ = 	snop  }
0x4: {  	_ = 	snop  }
0x5: {  	_ = 	snop  }
0x6: {  	_ = 	snop  }
0x7: {  	_ = 	snop  }
__scs_overlays_trampoline_lowered:
0x8: {  	[smem:$0x3FAF] =	sst s0  }
0x9: {  	[smem:$0x3FB0] =	sst s1  }
0xa: {  	[smem:$0x3FB1] =	sst s2  }
0xb: {  	[smem:$0x3FB2] =	sst s3  }
0xc: {  	[smem:$0x3FB3] =	sst s4  }
0xd: {  	[smem:$0x3FB4] =	sst s5  }
0xe: {  	[smem:$0x3FB5] =	sst s6  }
0xf: {  	[smem:$0x3FB6] =	sst s7  }
0x10: {  	[smem:$0x3FB7] =	sst s8  }
0x11: {  	[smem:$0x3FB8] =	sst s9;
	s0 =	simm.s32 @!p0 $0x0  }
0x12: {  	s1 =	sld [smem:$0x3F9E];
	s0 =	simm.s32 @p0 $0x1  }
0x13: {  	[smem:$0x3FB9] =	sst s0;
	s0 =	simm.s32 @!p1 $0x0  }
0x14: {  	s2 =	sld [smem:$0x3F9D];
	s0 =	simm.s32 @p1 $0x1  }
0x15: {  	[smem:$0x3FBA] =	sst s0;
	s0 =	simm.s32 @!p2 $0x0  }
0x16: {  	s3 =	sld [smem:$0x3FDB];
	s0 =	simm.s32 @p2 $0x1  }
0x17: {  	s4 =	simm.s32 $0x1BF5;
	[smem:$0x3FBC] =	sst s0  }
0x18: {  	s0 =	sld [smem:$0x3F9F];
	_ =	swait.ge [sflag:s4], $0x0  }
0x19: {  	s7 =	sld [smem:$0x3FA0]  }
0x1a: {  	s8 =	sadd.s32 $0xFFFFE003, lr  }
0x1b: {  	s9 =	sadd.s32 $0xFFFFFEF7, lr;
	s5 =	simm.s32 $0xFFFFFFFF;
	p2 =	slt.u32 s8, $0xFFFFF086  }
0x1c: {  	p1 =	slt.u32 s9, $0xF7A;
	s5 =	simm.s32 @!p2 $0x0  }
0x1d: {  	s5 =	simm.s32 @p1 $0x1;
	p0 =	seq.s32 s7, s2  }
0x1e: {  	s7 =	smul.u32 @!p0 $0xF7A, s2;
	p2 =	seq.s32 @!p0 s5, $0x0  }
0x1f: {  	s9 =	smul.u32 $0xF7A, s1;
	s8 =	simm.s32 @!p0 $0x1BF5;
	p2 =	por !p2, p0  }
0x20: {  	[sflag:s8] =	ssyncset.s32 @!p0 $0xFFFFF086;
	s6 =	sadd.s32 @!p0 s3, s7;
	s7 =	simm.s32 @!p0 $0x108  }
0x21: {  	s3 =	sadd.s32 s3, s9;
	s6 =	sadd.s32 @!p0 $0x88, s6;
	s7 =	simm.s32 @p2 $0x1082  }
0x22: {  	[simem:s7], [sflag:s8] =	dma.local @!p0 [hbm:s6], $0xF7A  }
0x23: {  	s9 =	sor.u32 $0xD0000000, s2;
	s6 =	simm.s32 $0x108;
	_ =	swait.ge @!p0 [sflag:s8], $0x0  }
0x24: {  	s3 =	sadd.s32 $0x88, s3;
	s6 =	simm.s32 @!p1 $0x1082;
	[sflag:s4] =	ssyncset.s32 $0xFFFFF086  }
0x25: {  	[simem:s6], [sflag:s4] =	dma.local [hbm:s3], $0xF7A  }
0x26: {  	[smem:$0x3FA0] =	sst s1;
	(tag) =	ssettag s2;
	_ =	strace s9  }
0x27: {  	s1 =	sld [smem:$0x3FB0]  }
0x28: {  	s2 =	sld [smem:$0x3FB1]  }
0x29: {  	s4 =	sld [smem:$0x3FB3]  }
0x2a: {  	p0 =	seq.s32 s5, $0x0;
	s5 =	sld [smem:$0x3FB4]  }
0x2b: {  	s6 =	sld [smem:$0x3FB5]  }
0x2c: {  	s7 =	sld [smem:$0x3FB6]  }
0x2d: {  	s3 =	simm.s32 $0x108;
	s8 =	sld [smem:$0x3FB7]  }
0x2e: {  	s3 =	simm.s32 @!p0 $0x1082;
	s9 =	sld [smem:$0x3FB8]  }
0x2f: {  	lr =	sadd.s32 s0, s3;
	s0 =	sld [smem:$0x3FAF]  }
0x30: {  	s3 =	sld [smem:$0x3FB2]  }
0x31: {  	[smem:$0x3FBB] =	sst s10  }
0x32: {  	s10 =	sld [smem:$0x3FB9];
	_ =	sdelay $0x3  }
0x33: {  	p0 =	seq.s32 s10, $0x1;
	s10 =	sld [smem:$0x3FBB];
	_ =	sdelay $0x3  }
0x34: {  	[smem:$0x3FBB] =	sst s10  }
0x35: {  	s10 =	sld [smem:$0x3FBA];
	_ =	sdelay $0x3  }
0x36: {  	p1 =	seq.s32 s10, $0x1;
	s10 =	sld [smem:$0x3FBB];
	_ =	sdelay $0x3  }
0x37: {  	[smem:$0x3FBB] =	sst s10  }
0x38: {  	s10 =	sld [smem:$0x3FBC]  }
0x39: {  	_ = 	snop;
	(pc) =	sbr.ind lr, $3  }
0x3a: {  	_ = 	snop  }
0x3b: {  	_ = 	snop  }
0x3c: {  	p2 =	seq.s32 s10, $0x1;
	s10 =	sld [smem:$0x3FBB]  }
0x3d: {  	_ =	shalt  }
0x3e: {  	_ =	shalt  }
0x3f: {  	_ =	shalt  }
0x40: {  	_ =	shalt  }
0x41: {  	_ =	shalt  }
0x42: {  	_ =	shalt  }
0x43: {  	_ =	shalt  }
0x44: {  	_ =	shalt  }
0x45: {  	_ =	shalt  }
0x46: {  	_ =	shalt  }
0x47: {  	_ =	shalt  }
0x48: {  	_ =	shalt  }
0x49: {  	_ =	shalt  }
0x4a: {  	_ =	shalt  }
0x4b: {  	_ =	shalt  }
0x4c: {  	_ =	shalt  }
0x4d: {  	_ =	shalt  }
0x4e: {  	_ =	shalt  }
0x4f: {  	_ =	shalt  }
0x50: {  	_ =	shalt  }
0x51: {  	_ =	shalt  }
0x52: {  	_ =	shalt  }
0x53: {  	_ =	shalt  }
0x54: {  	_ =	shalt  }
0x55: {  	_ =	shalt  }
0x56: {  	_ =	shalt  }
0x57: {  	_ =	shalt  }
0x58: {  	_ =	shalt  }
0x59: {  	_ =	shalt  }
0x5a: {  	_ =	shalt  }
0x5b: {  	_ =	shalt  }
0x5c: {  	_ =	shalt  }
0x5d: {  	_ =	shalt  }
0x5e: {  	_ =	shalt  }
0x5f: {  	_ =	shalt  }
0x60: {  	_ =	shalt  }
0x61: {  	_ =	shalt  }
0x62: {  	_ =	shalt  }
0x63: {  	_ =	shalt  }
0x64: {  	_ =	shalt  }
0x65: {  	_ =	shalt  }
0x66: {  	_ =	shalt  }
0x67: {  	_ =	shalt  }
0x68: {  	_ =	shalt  }
0x69: {  	_ =	shalt  }
0x6a: {  	_ =	shalt  }
0x6b: {  	_ =	shalt  }
0x6c: {  	_ =	shalt  }
0x6d: {  	_ =	shalt  }
0x6e: {  	_ =	shalt  }
0x6f: {  	_ =	shalt  }
0x70: {  	_ =	shalt  }
0x71: {  	_ =	shalt  }
0x72: {  	_ =	shalt  }
0x73: {  	_ =	shalt  }
0x74: {  	_ =	shalt  }
0x75: {  	_ =	shalt  }
0x76: {  	_ =	shalt  }
0x77: {  	_ =	shalt  }
0x78: {  	_ =	shalt  }
0x79: {  	_ =	shalt  }
0x7a: {  	_ =	shalt  }
0x7b: {  	_ =	shalt  }
0x7c: {  	_ =	shalt  }
0x7d: {  	_ =	shalt  }
0x7e: {  	_ =	shalt  }
0x7f: {  	_ =	shalt  }
0x80: {  	_ =	shalt  }
0x81: {  	_ =	shalt  }
0x82: {  	_ =	shalt  }
0x83: {  	_ =	shalt  }
0x84: {  	_ =	shalt  }
0x85: {  	_ =	shalt  }
0x86: {  	_ =	shalt  }
0x87: {  	_ =	shalt  }
.Lfunc_end0:
.L_simem_size_0:
called_computation_lowered:
.L_overlay_start_0:
0x88: {  	s2 =	sld [smem:$0x3FD9]  }
0x89: {  	s3 =	sld [smem:$0x3FFE];
	_ =	sdelay $0x1  }
0x8a: {  	s1 =	srdreg.scid  }
0x8b: {  	s0 =	sand.u32 $0x1, s1  }
0x8c: {  	s16 =	sshll.u32 s0, $0xA;
	s2 =	sadd.s32 s3, s2  }
0x8d: {  	s2 =	sadd.s32 s2, s16  }
0x8e: {  	[smem:$0x3FC7] =	sst s2  }
0x8f: {  	_ = 	snop  }
0x90: {  	(tm) =	ssettm $0x1  }
0x91: {  	s17 =	sld [smem:$0x3FFB];
	_ =	sdelay $0x3  }
0x92: {  	_ =	strace s17  }
0x93: {  	s2 =	sld [smem:$0x3FFC];
	_ =	sdelay $0x3  }
0x94: {  	_ =	strace s2  }
0x95: {  	s2 =	sld [smem:$0x3FFD];
	_ =	sdelay $0x3  }
0x96: {  	_ =	strace s2  }
0x97: {  	_ =	strace $0x8FFFFFFF  }
0x98: {  	s18 =	sld [smem:$0x3FDB];
	_ =	sdelay $0x1  }
0x99: {  	s19 =	simm.s32 $_scs_section_size  }
0x9a: {  	s4 =	simm.s32 $_size__tile_overlayer_lowered;
	s5 =	simm.s32 $_tile_overlayer_lowered  }
0x9b: {  	s22 =	simm.s32 $0x1BFF;
	s21 =	sshll.u32 s5, $0x1;
	s2 =	sadd.s32 s19, s18  }
0x9c: {  	s6 =	simm.s32 $0x0;
	s20 =	sshll.u32 s4, $0x1;
	s4 =	sadd.s32 s21, s2  }
0x9d: {  	[timem:s6], [sflag:s22] =	dma.local [hbm:s4], s20  }
0x9e: {  	_ =	swait.ge [sflag:s22], s20  }
0x9f: {  	s3 =	ssub.s32 $0x0, s20;
	[sflag:s22] =	ssyncset.done $0x0  }
0xa0: {  	[sflag:s22] =	ssyncadd.s32 s3;
	_ =	sdelay $0x1  }
0xa1: {  	s23 =	simm.s32 $0x1B8B  }
0xa2: {  	_ =	swait.ge [sflag:s23], $0x1  }
0xa3: {  	[sflag:s23] =	ssyncset.done $0x0  }
0xa4: {  	s25 =	simm.s32 $0x1B8E;
	s24 =	sld [smem:$0x3FFE];
	[sflag:s23] =	ssyncadd.s32 $0xFFFFFFFF  }
0xa5: {  	s26 =	simm.s32 $execute0_lowered;
	[smem:$0x3FD2] =	sst s25  }
0xa6: {  	s4 =	sshll.u32 s26, $0x1;
	_ =	strace $0x80000046;
	[dreg:$0x1] =	wrdreg $0xFFFFFFFF  }
0xa7: {  	s28 =	simm.s32 $_size_execute0_lowered;
	s2 =	sadd.s32 s2, s4;
	[dreg:$0x0] =	wrdreg $0x0  }
0xa8: {  	s4 =	sshll.u32 s28, $0x1;
	[dreg:$0x2] =	wrdreg s2  }
0xa9: {  	[dreg:$0x3] =	wrdreg s4  }
0xaa: {  	[dreg:$0x4] =	wrdreg $0xC0  }
0xab: {  	_ =	task [dreg:s6], $0x5FFFF  }
0xac: {  	[dreg:$0x1] =	wrdreg $0xFFFFFFFF  }
0xad: {  	[dreg:$0x0] =	wrdreg $0x60  }
0xae: {  	[dreg:$0x2] =	wrdreg s24  }
0xaf: {  	[dreg:$0x3] =	wrdreg $0x9  }
0xb0: {  	_ =	task.clear_ibuf [dreg:s6], $0x4FFFF;
	_ =	strace $0x90000046  }
0xb1: {  	s29 =	simm.s32 $0x9;
	_ =	strace $0x80000048  }
0xb2: {  	_ =	swait.ge [sflag:s29], $0x1  }
0xb3: {  	[sflag:s29] =	ssyncadd.s32 $0xFFFFFFFF  }
0xb4: {  	_ =	strace $0x90000048  }
0xb5: {  	_ =	sfence  }
0xb6: {  	s30 =	sld [smem:$0x0];
	_ =	sdelay $0x2  }
0xb7: {  	s31 =	sshll.u32 s1, $0xD;
	s1 =	sshrl.u32 s1, $0x2  }
0xb8: {  	s3 =	sand.u32 $0x4000, s31;
	s1 =	sadd.s32 s1, s30  }
0xb9: {  	s0 =	sor.u32 s3, s0;
	s1 =	sshll.u32 s1, $0x11  }
0xba: {  	s0 =	sor.u32 s1, s0  }
0xbb: {  	s0 =	sadd.s32 $0x8F2B, s0  }
0xbc: {  	[sflag:s0] =	ssyncadd.remote.s32 $0x1  }
0xbd: {  	_ =	sfence.sel $0xFFFF  }
0xbe: {  	[dreg:$0x0] =	wrdreg $0xFFFFFFFF;
	(pc) =	sbr.abs _section_cstart, $3  }
0xbf: {  	[dreg:$0x1] =	wrdreg $0xFFFFFFFF  }
0xc0: {  	_ =	task.clear_ibuf [dreg:s6], $0x2FFFF;
	_ =	strace $0x9FFFFFFF  }
0xc1: {  	(tm) =	ssettm $0x7FFFFFFF  }
tec
execute0_lowered:
.L_overlay_start_1:
0x0: {  	(tag) =	ssettag $0x1  }
0x1: {  	s1 =	srdreg.scid;
	s0 =	stileid.u32  }
0x2: {  	s3 =	sand.u32 $0x1, s1;
	s30 =	sshll.u32 s0, $0x1  }
0x3: {  	s4 =	rddreg [dreg:$0x0];
	s1 =	sor.u32 s3, s30  }
0x4: {  	s2 =	simm.s32 $0x0;
	s12 =	simm.s32 $0x1;
	s5 =	smul.u32 $0x7D000, s1  }
0x5: {  	s13 =	simm.s32 $0x0;
	[smem:$0x7FF] =	sst s2;
	s3 =	ssub.s32 $0x2, s3  }
0x6: {  	s1 =	rddreg [dreg:$0x1];
	s31 =	sshrl.u32 s3, $0x1;
	s5 =	sshrl.u32 s5, $0x3  }
0x7: {  	_ =	strace $0x80000047;
	s11 =	ssub.s32 s3, s31;
	s10 =	sadd.s32 s5, s4  }
0x8: {  	s11 =	smax.u32 s11, $0x1;
	s3 =	sadd.s32 $0x800, s10;
	s4 =	sadd.s32 $0x2740, s10  }
0x9: {  	s5 =	sadd.s32 $0x4680, s10;
	s6 =	sadd.s32 $0x65C0, s10;
	s7 =	sadd.s32 $0x8500, s10  }
0xa: {  	v0 =	vimm.f32 $0.0e+00;
	s8 =	sadd.s32 $0xA440, s10;
	s9 =	sadd.s32 $0xC380, s10;
	s10 =	sadd.s32 $0xE2C0, s10  }
.LBB2_1:
0xb: {  	s14 =	simm.s32 $0x40;
	s15 =	simm.s32 $0x0  }
.LBB2_2:
0xc: {  	p0 =	sne.s32 s14, $0x3E7C0;
	[tilespmem:s15+$0x0] =	vst v0;
	s15 =	smov.u32 s14;
	s14 =	sadd.s32 $0x40, s14  }
.Ltmp0:
0xd: {  	(pc) =	sbr.rel @p0 .LBB2_2-.Ltmp0, $2  }
0xe: {  	_ =	sdelay $0x2  }
0xf: {  	s15 =	sshra.s32 s15, $0x2  }
0x10: {  	[tilespmem:s15+$0x0] =	vst v0  }
0x11: {  	[hbm4b:s3+s2] =	stream.linear.scatter [tilespmem:s2], [sflag:$0x1], $0xFA00, $0x38;
	[tilespmem:$0xFA00] =	vst v63  }
0x12: {  	_ = 	snop  }
0x13: {  	[hbm4b:s4+s2] =	stream.linear.scatter [tilespmem:s2], [sflag:$0x1], $0xFA00, $0x38;
	[tilespmem:$0xFA00] =	vst v63  }
0x14: {  	_ = 	snop  }
0x15: {  	[hbm4b:s5+s2] =	stream.linear.scatter [tilespmem:s2], [sflag:$0x1], $0xFA00, $0x38;
	[tilespmem:$0xFA00] =	vst v63  }
0x16: {  	_ = 	snop  }
0x17: {  	[hbm4b:s6+s2] =	stream.linear.scatter [tilespmem:s2], [sflag:$0x1], $0xFA00, $0x38;
	[tilespmem:$0xFA00] =	vst v63  }
0x18: {  	_ = 	snop  }
0x19: {  	[hbm4b:s7+s2] =	stream.linear.scatter [tilespmem:s2], [sflag:$0x1], $0xFA00, $0x38;
	[tilespmem:$0xFA00] =	vst v63  }
0x1a: {  	_ = 	snop  }
0x1b: {  	[hbm4b:s8+s2] =	stream.linear.scatter [tilespmem:s2], [sflag:$0x1], $0xFA00, $0x38;
	[tilespmem:$0xFA00] =	vst v63  }
0x1c: {  	_ = 	snop  }
0x1d: {  	[hbm4b:s9+s2] =	stream.linear.scatter [tilespmem:s2], [sflag:$0x1], $0xFA00, $0x38;
	[tilespmem:$0xFA00] =	vst v63  }
0x1e: {  	_ = 	snop  }
0x1f: {  	[hbm4b:s10+s2] =	stream.linear.scatter [tilespmem:s2], [sflag:$0x1], $0xFA00, $0x38;
	[tilespmem:$0xFA00] =	vst v63  }
0x20: {  	_ =	swait.ge [sflag:s12], $0xFA00  }
0x21: {  	[sflag:s12] =	ssyncset.done $0x0  }
0x22: {  	[sflag:s12] =	ssyncadd.s32 $0xFFFF0600  }
0x23: {  	_ =	swait.ge [sflag:s12], $0xFA00  }
0x24: {  	[sflag:s12] =	ssyncset.done $0x0  }
0x25: {  	[sflag:s12] =	ssyncadd.s32 $0xFFFF0600  }
0x26: {  	_ =	swait.ge [sflag:s12], $0xFA00  }
0x27: {  	[sflag:s12] =	ssyncset.done $0x0  }
0x28: {  	[sflag:s12] =	ssyncadd.s32 $0xFFFF0600  }
0x29: {  	_ =	swait.ge [sflag:s12], $0xFA00  }
0x2a: {  	[sflag:s12] =	ssyncset.done $0x0  }
0x2b: {  	[sflag:s12] =	ssyncadd.s32 $0xFFFF0600  }
0x2c: {  	_ =	swait.ge [sflag:s12], $0xFA00  }
0x2d: {  	[sflag:s12] =	ssyncset.done $0x0  }
0x2e: {  	[sflag:s12] =	ssyncadd.s32 $0xFFFF0600  }
0x2f: {  	_ =	swait.ge [sflag:s12], $0xFA00  }
0x30: {  	[sflag:s12] =	ssyncset.done $0x0  }
0x31: {  	s13 =	sadd.s32 $0x1, s13;
	[sflag:s12] =	ssyncadd.s32 $0xFFFF0600  }
0x32: {  	p0 =	sne.s32 s13, s11;
	_ =	swait.ge [sflag:s12], $0xFA00  }
.Ltmp1:
0x33: {  	[sflag:s12] =	ssyncset.done $0x0;
	(pc) =	sbr.rel @p0 .LBB2_1-.Ltmp1, $4  }
0x34: {  	[sflag:s12] =	ssyncadd.s32 $0xFFFF0600  }
0x35: {  	_ =	swait.ge [sflag:s12], $0xFA00  }
0x36: {  	[sflag:s12] =	ssyncset.done $0x0  }
0x37: {  	[sflag:s12] =	ssyncadd.s32 $0xFFFF0600  }
0x38: {  	_ =	sfence.sel $0x180000  }
0x39: {  	[bflag:$0x0] =	sbarrier.arrive $0xFFFF  }
0x3a: {  	p0 =	sne.s32 s0, $0x0;
	_ =	strace $0x90000047  }
0x3b: {  	s0 =	sadd.s32 @!p0 $0x100000, s1;
	[bflag:$0x2] =	sbarrier.arrive $0xFFFF  }
0x3c: {  	[sflag:s0] =	ssyncadd.tile.s32 @!p0 $0x1;
	_ =	shalt  }
.Lfunc_end2:
_tile_overlayer_lowered:
.L_overlay_start_2:
0x3d: {  	(tag) =	ssettag $0x2  }
0x3e: {  	s0 =	rddreg [dreg:$0x0];
	s2 =	stileid.u32  }
0x3f: {  	s1 =	rddreg [dreg:$0x1];
	p0 =	sne.s32 s2, $0x0  }
0x40: {  	s3 =	rddreg [dreg:$0x2];
	[bflag:$0x3] =	sbarrier.arrive $0xFFFF;
	s2 =	simm.s32 @!p0 $0x1C02  }
0x41: {  	[timem:s3], [sflag:s2] =	dma.local @!p0 [hbm:s0], s1  }
0x42: {  	s0 =	simm.s32 @!p0 $0x2  }
0x43: {  	_ =	swait.ge @!p0 [sflag:s0], s1  }
0x44: {  	s1 =	ssub.s32 @!p0 $0x0, s1;
	[sflag:s0] =	ssyncset.done @!p0 $0x0  }
0x45: {  	[sflag:s0] =	ssyncadd.s32 @!p0 s1  }
0x46: {  	[bflag:$0x3] =	sbarrier.arrive $0xFFFF  }
0x47: {  	_ =	shalt  }

// kernel: kernel.7.cloned.1.call-start
scs
__scs_entry_jumppad:
0x0: {  	(pc) =	sbr.rel $0x88, $3  }
0x1: {  	(tag) =	ssettag $0x0;
	lr =	simm.s32 $0x1  }
0x2: {  	[smem:$0x3FA0] =	sst lr;
	_ =	strace $0xD0000000  }
0x3: {  	_ = 	snop  }
0x4: {  	_ = 	snop  }
0x5: {  	_ = 	snop  }
0x6: {  	_ = 	snop  }
0x7: {  	_ = 	snop  }
__scs_overlays_trampoline_lowered:
0x8: {  	[smem:$0x3FAF] =	sst s0  }
0x9: {  	[smem:$0x3FB0] =	sst s1  }
0xa: {  	[smem:$0x3FB1] =	sst s2  }
0xb: {  	[smem:$0x3FB2] =	sst s3  }
0xc: {  	[smem:$0x3FB3] =	sst s4  }
0xd: {  	[smem:$0x3FB4] =	sst s5  }
0xe: {  	[smem:$0x3FB5] =	sst s6  }
0xf: {  	[smem:$0x3FB6] =	sst s7  }
0x10: {  	[smem:$0x3FB7] =	sst s8  }
0x11: {  	[smem:$0x3FB8] =	sst s9;
	s0 =	simm.s32 @!p0 $0x0  }
0x12: {  	s1 =	sld [smem:$0x3F9E];
	s0 =	simm.s32 @p0 $0x1  }
0x13: {  	[smem:$0x3FB9] =	sst s0;
	s0 =	simm.s32 @!p1 $0x0  }
0x14: {  	s2 =	sld [smem:$0x3F9D];
	s0 =	simm.s32 @p1 $0x1  }
0x15: {  	[smem:$0x3FBA] =	sst s0;
	s0 =	simm.s32 @!p2 $0x0  }
0x16: {  	s3 =	sld [smem:$0x3FDB];
	s0 =	simm.s32 @p2 $0x1  }
0x17: {  	s4 =	simm.s32 $0x1BF5;
	[smem:$0x3FBC] =	sst s0  }
0x18: {  	s0 =	sld [smem:$0x3F9F];
	_ =	swait.ge [sflag:s4], $0x0  }
0x19: {  	s7 =	sld [smem:$0x3FA0]  }
0x1a: {  	s8 =	sadd.s32 $0xFFFFE003, lr  }
0x1b: {  	s9 =	sadd.s32 $0xFFFFFEF7, lr;
	s5 =	simm.s32 $0xFFFFFFFF;
	p2 =	slt.u32 s8, $0xFFFFF086  }
0x1c: {  	p1 =	slt.u32 s9, $0xF7A;
	s5 =	simm.s32 @!p2 $0x0  }
0x1d: {  	s5 =	simm.s32 @p1 $0x1;
	p0 =	seq.s32 s7, s2  }
0x1e: {  	s7 =	smul.u32 @!p0 $0xF7A, s2;
	p2 =	seq.s32 @!p0 s5, $0x0  }
0x1f: {  	s9 =	smul.u32 $0xF7A, s1;
	s8 =	simm.s32 @!p0 $0x1BF5;
	p2 =	por !p2, p0  }
0x20: {  	[sflag:s8] =	ssyncset.s32 @!p0 $0xFFFFF086;
	s6 =	sadd.s32 @!p0 s3, s7;
	s7 =	simm.s32 @!p0 $0x108  }
0x21: {  	s3 =	sadd.s32 s3, s9;
	s6 =	sadd.s32 @!p0 $0x88, s6;
	s7 =	simm.s32 @p2 $0x1082  }
0x22: {  	[simem:s7], [sflag:s8] =	dma.local @!p0 [hbm:s6], $0xF7A  }
0x23: {  	s9 =	sor.u32 $0xD0000000, s2;
	s6 =	simm.s32 $0x108;
	_ =	swait.ge @!p0 [sflag:s8], $0x0  }
0x24: {  	s3 =	sadd.s32 $0x88, s3;
	s6 =	simm.s32 @!p1 $0x1082;
	[sflag:s4] =	ssyncset.s32 $0xFFFFF086  }
0x25: {  	[simem:s6], [sflag:s4] =	dma.local [hbm:s3], $0xF7A  }
0x26: {  	[smem:$0x3FA0] =	sst s1;
	(tag) =	ssettag s2;
	_ =	strace s9  }
0x27: {  	s1 =	sld [smem:$0x3FB0]  }
0x28: {  	s2 =	sld [smem:$0x3FB1]  }
0x29: {  	s4 =	sld [smem:$0x3FB3]  }
0x2a: {  	p0 =	seq.s32 s5, $0x0;
	s5 =	sld [smem:$0x3FB4]  }
0x2b: {  	s6 =	sld [smem:$0x3FB5]  }
0x2c: {  	s7 =	sld [smem:$0x3FB6]  }
0x2d: {  	s3 =	simm.s32 $0x108;
	s8 =	sld [smem:$0x3FB7]  }
0x2e: {  	s3 =	simm.s32 @!p0 $0x1082;
	s9 =	sld [smem:$0x3FB8]  }
0x2f: {  	lr =	sadd.s32 s0, s3;
	s0 =	sld [smem:$0x3FAF]  }
0x30: {  	s3 =	sld [smem:$0x3FB2]  }
0x31: {  	[smem:$0x3FBB] =	sst s10  }
0x32: {  	s10 =	sld [smem:$0x3FB9];
	_ =	sdelay $0x3  }
0x33: {  	p0 =	seq.s32 s10, $0x1;
	s10 =	sld [smem:$0x3FBB];
	_ =	sdelay $0x3  }
0x34: {  	[smem:$0x3FBB] =	sst s10  }
0x35: {  	s10 =	sld [smem:$0x3FBA];
	_ =	sdelay $0x3  }
0x36: {  	p1 =	seq.s32 s10, $0x1;
	s10 =	sld [smem:$0x3FBB];
	_ =	sdelay $0x3  }
0x37: {  	[smem:$0x3FBB] =	sst s10  }
0x38: {  	s10 =	sld [smem:$0x3FBC]  }
0x39: {  	_ = 	snop;
	(pc) =	sbr.ind lr, $3  }
0x3a: {  	_ = 	snop  }
0x3b: {  	_ = 	snop  }
0x3c: {  	p2 =	seq.s32 s10, $0x1;
	s10 =	sld [smem:$0x3FBB]  }
0x3d: {  	_ =	shalt  }
0x3e: {  	_ =	shalt  }
0x3f: {  	_ =	shalt  }
0x40: {  	_ =	shalt  }
0x41: {  	_ =	shalt  }
0x42: {  	_ =	shalt  }
0x43: {  	_ =	shalt  }
0x44: {  	_ =	shalt  }
0x45: {  	_ =	shalt  }
0x46: {  	_ =	shalt  }
0x47: {  	_ =	shalt  }
0x48: {  	_ =	shalt  }
0x49: {  	_ =	shalt  }
0x4a: {  	_ =	shalt  }
0x4b: {  	_ =	shalt  }
0x4c: {  	_ =	shalt  }
0x4d: {  	_ =	shalt  }
0x4e: {  	_ =	shalt  }
0x4f: {  	_ =	shalt  }
0x50: {  	_ =	shalt  }
0x51: {  	_ =	shalt  }
0x52: {  	_ =	shalt  }
0x53: {  	_ =	shalt  }
0x54: {  	_ =	shalt  }
0x55: {  	_ =	shalt  }
0x56: {  	_ =	shalt  }
0x57: {  	_ =	shalt  }
0x58: {  	_ =	shalt  }
0x59: {  	_ =	shalt  }
0x5a: {  	_ =	shalt  }
0x5b: {  	_ =	shalt  }
0x5c: {  	_ =	shalt  }
0x5d: {  	_ =	shalt  }
0x5e: {  	_ =	shalt  }
0x5f: {  	_ =	shalt  }
0x60: {  	_ =	shalt  }
0x61: {  	_ =	shalt  }
0x62: {  	_ =	shalt  }
0x63: {  	_ =	shalt  }
0x64: {  	_ =	shalt  }
0x65: {  	_ =	shalt  }
0x66: {  	_ =	shalt  }
0x67: {  	_ =	shalt  }
0x68: {  	_ =	shalt  }
0x69: {  	_ =	shalt  }
0x6a: {  	_ =	shalt  }
0x6b: {  	_ =	shalt  }
0x6c: {  	_ =	shalt  }
0x6d: {  	_ =	shalt  }
0x6e: {  	_ =	shalt  }
0x6f: {  	_ =	shalt  }
0x70: {  	_ =	shalt  }
0x71: {  	_ =	shalt  }
0x72: {  	_ =	shalt  }
0x73: {  	_ =	shalt  }
0x74: {  	_ =	shalt  }
0x75: {  	_ =	shalt  }
0x76: {  	_ =	shalt  }
0x77: {  	_ =	shalt  }
0x78: {  	_ =	shalt  }
0x79: {  	_ =	shalt  }
0x7a: {  	_ =	shalt  }
0x7b: {  	_ =	shalt  }
0x7c: {  	_ =	shalt  }
0x7d: {  	_ =	shalt  }
0x7e: {  	_ =	shalt  }
0x7f: {  	_ =	shalt  }
0x80: {  	_ =	shalt  }
0x81: {  	_ =	shalt  }
0x82: {  	_ =	shalt  }
0x83: {  	_ =	shalt  }
0x84: {  	_ =	shalt  }
0x85: {  	_ =	shalt  }
0x86: {  	_ =	shalt  }
0x87: {  	_ =	shalt  }
.Lfunc_end0:
.L_simem_size_0:
called_computation.1_lowered:
.L_overlay_start_0:
0x88: {  	s2 =	sld [smem:$0x3FD9]  }
0x89: {  	s3 =	sld [smem:$0x3FFE];
	_ =	sdelay $0x1  }
0x8a: {  	s1 =	srdreg.scid  }
0x8b: {  	s0 =	sand.u32 $0x1, s1  }
0x8c: {  	s17 =	sshll.u32 s0, $0xA;
	s2 =	sadd.s32 s3, s2  }
0x8d: {  	s2 =	sadd.s32 s2, s17  }
0x8e: {  	[smem:$0x3FC7] =	sst s2  }
0x8f: {  	_ = 	snop  }
0x90: {  	s2 =	sld [smem:$0x3FC9];
	(tm) =	ssettm $0x1  }
0x91: {  	s18 =	sld [smem:$0x3FFB];
	_ =	sdelay $0x3  }
0x92: {  	_ =	strace s18  }
0x93: {  	s3 =	sld [smem:$0x3FFC];
	_ =	sdelay $0x3  }
0x94: {  	_ =	strace s3  }
0x95: {  	s3 =	sld [smem:$0x3FFD];
	_ =	sdelay $0x3  }
0x96: {  	_ =	strace s3  }
0x97: {  	_ =	strace $0x8FFFFFFF  }
0x98: {  	s19 =	sld [smem:$0x3FDB];
	_ =	sdelay $0x1  }
0x99: {  	s4 =	simm.s32 $_scs_section_size  }
0x9a: {  	s5 =	simm.s32 $_size__tile_overlayer_lowered;
	s6 =	simm.s32 $_tile_overlayer_lowered  }
0x9b: {  	s22 =	simm.s32 $0x1BFF;
	s21 =	sshll.u32 s6, $0x1;
	s3 =	sadd.s32 s4, s19  }
0x9c: {  	s7 =	simm.s32 $0x0;
	s20 =	sshll.u32 s5, $0x1;
	s5 =	sadd.s32 s21, s3  }
0x9d: {  	[timem:s7], [sflag:s22] =	dma.local [hbm:s5], s20  }
0x9e: {  	_ =	swait.ge [sflag:s22], s20  }
0x9f: {  	s4 =	ssub.s32 $0x0, s20;
	[sflag:s22] =	ssyncset.done $0x0  }
0xa0: {  	[sflag:s22] =	ssyncadd.s32 s4;
	_ =	sdelay $0x1  }
0xa1: {  	s23 =	simm.s32 $0x1B8B  }
0xa2: {  	_ =	swait.ge [sflag:s23], $0x1  }
0xa3: {  	[sflag:s23] =	ssyncset.done $0x0  }
0xa4: {  	s25 =	simm.s32 $0x1B8E;
	s24 =	sld [smem:$0x3FFE];
	[sflag:s23] =	ssyncadd.s32 $0xFFFFFFFF  }
0xa5: {  	s26 =	simm.s32 $execute0_lowered;
	[smem:$0x3FD2] =	sst s25  }
0xa6: {  	s5 =	sshll.u32 s26, $0x1;
	_ =	strace $0x80000049;
	[dreg:$0x1] =	wrdreg $0xFFFFFFFF  }
0xa7: {  	s28 =	simm.s32 $_size_execute0_lowered;
	s3 =	sadd.s32 s3, s5;
	[dreg:$0x0] =	wrdreg $0x0  }
0xa8: {  	s5 =	sshll.u32 s28, $0x1;
	[dreg:$0x2] =	wrdreg s3  }
0xa9: {  	[dreg:$0x3] =	wrdreg s5  }
0xaa: {  	[dreg:$0x4] =	wrdreg $0xC0  }
0xab: {  	_ =	task [dreg:s7], $0x5FFFF  }
0xac: {  	[dreg:$0x1] =	wrdreg $0xFFFFFFFF  }
0xad: {  	[dreg:$0x0] =	wrdreg $0x60  }
0xae: {  	[dreg:$0x2] =	wrdreg s2  }
0xaf: {  	[dreg:$0x3] =	wrdreg s24  }
0xb0: {  	[dreg:$0x4] =	wrdreg $0x9  }
0xb1: {  	_ =	task.clear_ibuf [dreg:s7], $0x5FFFF;
	_ =	strace $0x90000049  }
0xb2: {  	s29 =	simm.s32 $0x9;
	_ =	strace $0x8000004B  }
0xb3: {  	_ =	swait.ge [sflag:s29], $0x1  }
0xb4: {  	[sflag:s29] =	ssyncadd.s32 $0xFFFFFFFF  }
0xb5: {  	_ =	strace $0x9000004B  }
0xb6: {  	_ =	sfence  }
0xb7: {  	s30 =	sld [smem:$0x0];
	_ =	sdelay $0x2  }
0xb8: {  	s31 =	sshll.u32 s1, $0xD;
	s1 =	sshrl.u32 s1, $0x2  }
0xb9: {  	s3 =	sand.u32 $0x4000, s31;
	s1 =	sadd.s32 s1, s30  }
0xba: {  	s0 =	sor.u32 s3, s0;
	s1 =	sshll.u32 s1, $0x11  }
0xbb: {  	s0 =	sor.u32 s1, s0  }
0xbc: {  	s0 =	sadd.s32 $0x8F2B, s0  }
0xbd: {  	[sflag:s0] =	ssyncadd.remote.s32 $0x1  }
0xbe: {  	_ =	sfence.sel $0xFFFF  }
0xbf: {  	[dreg:$0x0] =	wrdreg $0xFFFFFFFF;
	(pc) =	sbr.abs _section_cstart, $3  }
0xc0: {  	[dreg:$0x1] =	wrdreg $0xFFFFFFFF  }
0xc1: {  	_ =	task.clear_ibuf [dreg:s7], $0x2FFFF;
	_ =	strace $0x9FFFFFFF  }
0xc2: {  	(tm) =	ssettm $0x7FFFFFFF  }
0xc3: {  	_ =	shalt  }
tec
execute0_lowered:
.L_overlay_start_1:
0x0: {  	(tag) =	ssettag $0x1  }
0x1: {  	s3 =	rddreg [dreg:$0x0]  }
0x2: {  	s2 =	rddreg [dreg:$0x1]  }
0x3: {  	s0 =	rddreg [dreg:$0x2];
	s4 =	srdreg.scid;
	s10 =	simm.s32 $0x0  }
0x4: {  	s1 =	stileid.u32;
	p0 =	por $0x0, $0x0;
	s4 =	sand.u32 $0x1, s4  }
0x5: {  	[smem:$0x7FF] =	sst s10;
	s5 =	sshll.u32 s1, $0xA;
	s2 =	sadd.s32 $0x800, s2  }
0x6: {  	s6 =	sshll.u32 s4, $0x9;
	_ =	strace $0x8000004A;
	s4 =	ssub.s32 $0x2, s4  }
0x7: {  	s5 =	sor.u32 s6, s5;
	s24 =	sshrl.u32 s4, $0x1;
	s6 =	simm.s32 $0x200  }
0x8: {  	s7 =	sshrl.u32 s5, $0x3;
	s4 =	ssub.s32 s4, s24;
	s25 =	sor.u32 $0x10, s5  }
0x9: {  	s26 =	sor.u32 $0x20, s5;
	s28 =	sor.u32 $0x30, s5;
	s8 =	sor.u32 $0x40, s5  }
0xa: {  	s9 =	sor.u32 $0x50, s5;
	s12 =	sor.u32 $0x60, s5;
	s13 =	sor.u32 $0x70, s5  }
0xb: {  	v27 =	vlaneseq.u32;
	s14 =	sor.u32 $0x80, s5;
	s15 =	sor.u32 $0x90, s5;
	s16 =	sor.u32 $0xA0, s5  }
0xc: {  	v32 =	vimm.f32 $1.000000000e+00;
	s29 =	sor.u32 $0xB0, s5;
	s30 =	sor.u32 $0xC0, s5;
	s31 =	sor.u32 $0xD0, s5;
	v11 =	vor.u32 s5, v27;
	v5 =	vor.u32 s25, v27  }
0xd: {  	s17 =	sor.u32 $0x100, s5;
	s18 =	sor.u32 $0x110, s5;
	s19 =	sor.u32 $0x120, s5;
	v9 =	vor.u32 s26, v27;
	v1 =	vor.u32 s28, v27;
	v0 =	vor.u32 s8, v27  }
0xe: {  	s20 =	sor.u32 $0x130, s5;
	s21 =	sor.u32 $0x140, s5;
	s22 =	sor.u32 $0x150, s5;
	v15 =	vor.u32 s9, v27;
	v4 =	vor.u32 s12, v27;
	v13 =	vor.u32 s13, v27  }
0xf: {  	s23 =	sor.u32 $0x160, s5;
	s24 =	sor.u32 $0x170, s5;
	s11 =	sadd.s32 s3, s7;
	v16 =	vor.u32 s14, v27;
	v10 =	vor.u32 s15, v27;
	v12 =	vor.u32 s16, v27  }
0x10: {  	s9 =	sor.u32 $0xE0, s5;
	s12 =	sor.u32 $0xF0, s5;
	v17 =	vor.u32 s29, v27;
	v2 =	vor.u32 s30, v27;
	v3 =	vor.u32 s31, v27;
	s31 =	smax.u32 s4, $0x1  }
0x11: {  	s25 =	sor.u32 $0x180, s5;
	s26 =	sor.u32 $0x190, s5;
	v26 =	vor.u32 s17, v27;
	v23 =	vor.u32 s18, v27;
	v18 =	vor.u32 s19, v27;
	p1 =	sne.s32 s31, $0x1  }
.Ltmp0:
0x12: {  	s28 =	sor.u32 $0x1A0, s5;
	s29 =	sor.u32 $0x1B0, s5;
	v7 =	vor.u32 s20, v27;
	v19 =	vor.u32 s21, v27;
	v20 =	vor.u32 s22, v27;
	(pc) =	sbr.rel @!p1 .LBB2_3-.Ltmp0, $4  }
0x13: {  	s17 =	sor.u32 $0x1C0, s5;
	s30 =	sor.u32 $0x1D0, s5;
	s18 =	sor.u32 $0x1E0, s5;
	v30 =	vor.u32 s23, v27;
	v28 =	vor.u32 s24, v27;
	v6 =	vor.u32 s9, v27  }
0x14: {  	s19 =	sor.u32 $0x1F0, s5;
	s3 =	simm.s32 $0x80;
	s5 =	simm.s32 $0x400;
	v8 =	vor.u32 s12, v27;
	v31 =	vor.u32 s25, v27;
	v24 =	vor.u32 s26, v27  }
0x15: {  	s7 =	simm.s32 $0x280;
	s8 =	simm.s32 $0x300;
	s4 =	simm.s32 $0x1;
	v25 =	vor.u32 s28, v27;
	v29 =	vor.u32 s29, v27;
	v21 =	vor.u32 s17, v27  }
0x16: {  	s12 =	simm.s32 $0x2;
	v22 =	vor.u32 s30, v27;
	s9 =	simm.s32 $0x380;
	v14 =	vor.u32 s18, v27;
	v27 =	vor.u32 s19, v27;
	s13 =	sadd.s32 $0xFFFFFFFF, s31  }
0x17: {  	[tilespmem:s10], [sflag:$0x2] =	stream.linear.gather [hbm4b:s11+s10], $0x200, $0x38;
	[tilespmem:$0x480] =	vst v63  }
0x18: {  	_ =	swait.ge [sflag:s12], $0x200  }
0x19: {  	[sflag:s12] =	ssyncset.done $0x0  }
0x1a: {  	[sflag:s12] =	ssyncadd.s32 $0xFFFFFE00  }
0x1b: {  	v33 =	vld [tilespmem:$0x100];
	[tilespmem:$0x470] =	vst v32  }
0x1c: {  	[tilespmem:$0x460] =	vst v32;
	v34 =	vld [tilespmem:$0x180]  }
0x1d: {  	v35 =	vld [tilespmem:$0x110];
	[tilespmem:$0x450] =	vst v32  }
0x1e: {  	[tilespmem:$0x440] =	vst v32;
	v36 =	vld [tilespmem:$0x160]  }
0x1f: {  	[tilespmem:$0x430] =	vst v32;
	v37 =	vld [tilespmem:$0x170]  }
0x20: {  	[tilespmem:$0x420] =	vst v32;
	v39 =	vld [tilespmem:$0x1B0]  }
0x21: {  	[tilespmem:$0x410] =	vst v32;
	v49 =	vld [tilespmem:$0x1F0];
	v34 =	vshll.u32 v34, $0xE  }
0x22: {  	[tilespmem:$0x400] =	vst v32;
	v41 =	vld [tilespmem:$0x150];
	v33 =	vshll.u32 v33, $0xE;
	v34 =	vor.u32 v31, v34  }
0x23: {  	v44 =	vld [tilespmem:$0x70];
	v36 =	vshll.u32 v36, $0xE;
	v33 =	vor.u32 v26, v33;
	[tilespmem:$0x380] =	vst v34  }
0x24: {  	v38 =	vld [tilespmem:$0x120];
	v48 =	vshll.u32 v37, $0xE;
	v47 =	vor.u32 v30, v36;
	[tilespmem:$0x300] =	vst v33  }
0x25: {  	v40 =	vld [tilespmem:$0x1A0];
	v35 =	vshll.u32 v35, $0xE;
	v50 =	vor.u32 v28, v48;
	[tilespmem:$0x360] =	vst v47  }
0x26: {  	v51 =	vld [tilespmem:$0x1D0];
	v57 =	vshll.u32 v49, $0xE;
	v35 =	vor.u32 v23, v35;
	[tilespmem:$0x370] =	vst v50  }
0x27: {  	v62 =	vld [tilespmem:$0x80];
	v58 =	vshll.u32 v41, $0xE;
	v60 =	vor.u32 v27, v57;
	[tilespmem:$0x310] =	vst v35  }
0x28: {  	v46 =	vld [tilespmem:$0x190];
	v52 =	vshll.u32 v39, $0xE;
	v39 =	vshll.u32 v44, $0xE;
	v61 =	vor.u32 v20, v58;
	[tilespmem:$0x3F0] =	vst v60  }
0x29: {  	v55 =	vld [tilespmem:$0x140];
	v39 =	vor.u32 v13, v39;
	[tilespmem:$0x350] =	vst v61  }
0x2a: {  	v53 =	vld [tilespmem:$0x1C0];
	v54 =	vshll.u32 v40, $0xE;
	v33 =	vor.u32 v29, v52;
	[tilespmem:$0x270] =	vst v39  }
0x2b: {  	v56 =	vld [tilespmem:$0xB0];
	v36 =	vshll.u32 v51, $0xE;
	v35 =	vor.u32 v25, v54;
	[tilespmem:$0x3B0] =	vst v33  }
0x2c: {  	v59 =	vld [tilespmem:$0x50];
	v37 =	vshll.u32 v62, $0xE;
	v36 =	vor.u32 v22, v36;
	[tilespmem:$0x3A0] =	vst v35  }
0x2d: {  	v45 =	vld [tilespmem:$0x20];
	v34 =	vshll.u32 v46, $0xE;
	v50 =	vor.u32 v16, v37;
	[tilespmem:$0x3D0] =	vst v36  }
0x2e: {  	v43 =	vshll.u32 v55, $0xE;
	v55 =	vld [tilespmem:$0x0];
	v34 =	vor.u32 v24, v34;
	[tilespmem:$0x280] =	vst v50  }
0x2f: {  	v63 =	vshll.u32 v53, $0xE;
	v48 =	vld [tilespmem:$0x10];
	v35 =	vor.u32 v19, v43;
	[tilespmem:$0x390] =	vst v34  }
0x30: {  	v51 =	vld [tilespmem:$0x90];
	v33 =	vshll.u32 v56, $0xE;
	v34 =	vor.u32 v21, v63;
	[tilespmem:$0x340] =	vst v35  }
0x31: {  	v46 =	vshll.u32 v59, $0xE;
	v47 =	vld [tilespmem:$0xA0];
	v33 =	vor.u32 v17, v33;
	[tilespmem:$0x3C0] =	vst v34  }
0x32: {  	v49 =	vshll.u32 v38, $0xE;
	v52 =	vld [tilespmem:$0x60];
	v34 =	vor.u32 v15, v46;
	[tilespmem:$0x2B0] =	vst v33  }
0x33: {  	v53 =	vshll.u32 v45, $0xE;
	v54 =	vld [tilespmem:$0x30];
	v33 =	vor.u32 v18, v49;
	[tilespmem:$0x250] =	vst v34  }
0x34: {  	v42 =	vld [tilespmem:$0x40];
	[tilespmem:$0x320] =	vst v33;
	v34 =	vor.u32 v9, v53;
	v35 =	vshll.u32 v48, $0xE  }
0x35: {  	v58 =	vld [tilespmem:$0xF0];
	v37 =	vshll.u32 v51, $0xE;
	[tilespmem:$0x220] =	vst v34;
	v35 =	vor.u32 v5, v35  }
0x36: {  	p1 =	sne.s32 s13, $0x1;
	v59 =	vld [tilespmem:$0xE0];
	v33 =	vshll.u32 v55, $0xE;
	v37 =	vor.u32 v10, v37;
	[tilespmem:$0x210] =	vst v35  }
.Ltmp1:
0x37: {  	v56 =	vshll.u32 v47, $0xE;
	v34 =	vld [tilespmem:$0xC0];
	v63 =	vor.u32 v11, v33;
	[tilespmem:$0x290] =	vst v37;
	(pc) =	sbr.rel @!p1 .LBB2_3-.Ltmp1, $4  }
0x38: {  	v60 =	vshll.u32 v52, $0xE;
	v36 =	vshll.u32 v54, $0xE;
	v57 =	vor.u32 v12, v56;
	v35 =	vld [tilespmem:$0xD0];
	[tilespmem:$0x200] =	vst v63  }
0x39: {  	v38 =	vor.u32 v4, v60;
	v61 =	vor.u32 v1, v36;
	v36 =	vld [tilespmem:$0x1E0];
	[tilespmem:$0x2A0] =	vst v57  }
0x3a: {  	v62 =	vshll.u32 v42, $0xE;
	v39 =	vshll.u32 v58, $0xE;
	v37 =	vld [tilespmem:$0x130];
	[tilespmem:$0x260] =	vst v38  }
0x3b: {  	s13 =	sadd.s32 $0xFFFFFFFF, s13;
	p0 =	por $0x1, $0x1;
	v33 =	vor.u32 v0, v62;
	v39 =	vor.u32 v8, v39;
	[tilespmem:$0x230] =	vst v61;
	v38 =	vshll.u32 v59, $0xE  }
.LBB2_2:
0x3c: {  	p1 =	sne.s32 s13, $0x1;
	s13 =	sadd.s32 $0xFFFFFFFF, s13;
	v34 =	vshll.u32 v34, $0xE;
	v38 =	vor.u32 v6, v38;
	[tilespmem:$0x2F0] =	vst v39  }
0x3d: {  	v34 =	vor.u32 v2, v34;
	v35 =	vshll.u32 v35, $0xE;
	[tilespmem:$0x2E0] =	vst v38  }
0x3e: {  	[tilespmem:$0x2C0] =	vst v34;
	v34 =	vor.u32 v3, v35;
	v35 =	vshll.u32 v36, $0xE  }
0x3f: {  	[tilespmem:$0x2D0] =	vst v34;
	v34 =	vshll.u32 v37, $0xE;
	v35 =	vor.u32 v14, v35  }
0x40: {  	v34 =	vor.u32 v7, v34;
	[tilespmem:$0x3E0] =	vst v35  }
0x41: {  	[tilespmem:$0x330] =	vst v34  }
0x42: {  	[tilespmem:$0x240] =	vst v33  }
0x43: {  	[hbm4b:s2+s3] =	stream.indirect.scatter [tilespmem:s5], [sflag:$0x1], $0x1, s6, s3, $0xb8;
	[tilespmem:$0x480] =	vst v63  }
0x44: {  	_ = 	snop  }
0x45: {  	[hbm4b:s2+s3] =	stream.indirect.scatter [tilespmem:s5], [sflag:$0x1], $0x1, s7, s3, $0xb8;
	[tilespmem:$0x480] =	vst v63  }
0x46: {  	_ = 	snop  }
0x47: {  	[hbm4b:s2+s3] =	stream.indirect.scatter [tilespmem:s5], [sflag:$0x1], $0x1, s8, s3, $0xb8;
	[tilespmem:$0x480] =	vst v63  }
0x48: {  	_ = 	snop  }
0x49: {  	[hbm4b:s2+s3] =	stream.indirect.scatter [tilespmem:s5], [sflag:$0x1], $0x1, s9, s3, $0xb8;
	[tilespmem:$0x480] =	vst v63  }
0x4a: {  	_ =	swait.ge [sflag:s4], $0x80  }
0x4b: {  	[sflag:s4] =	ssyncset.done $0x0  }
0x4c: {  	[sflag:s4] =	ssyncadd.s32 $0xFFFFFF80  }
0x4d: {  	_ =	swait.ge [sflag:s4], $0x80  }
0x4e: {  	[sflag:s4] =	ssyncset.done $0x0  }
0x4f: {  	[sflag:s4] =	ssyncadd.s32 $0xFFFFFF80  }
0x50: {  	_ =	swait.ge [sflag:s4], $0x80  }
0x51: {  	[sflag:s4] =	ssyncset.done $0x0  }
0x52: {  	[sflag:s4] =	ssyncadd.s32 $0xFFFFFF80  }
0x53: {  	_ =	swait.ge [sflag:s4], $0x80  }
0x54: {  	[sflag:s4] =	ssyncset.done $0x0  }
0x55: {  	[sflag:s4] =	ssyncadd.s32 $0xFFFFFF80  }
0x56: {  	[tilespmem:s10], [sflag:$0x2] =	stream.linear.gather [hbm4b:s11+s10], $0x200, $0x38;
	[tilespmem:$0x480] =	vst v63  }
0x57: {  	_ =	swait.ge [sflag:s12], $0x200  }
0x58: {  	[sflag:s12] =	ssyncset.done $0x0  }
0x59: {  	[sflag:s12] =	ssyncadd.s32 $0xFFFFFE00  }
0x5a: {  	v33 =	vld [tilespmem:$0x100]  }
0x5b: {  	[tilespmem:$0x470] =	vst v32;
	v34 =	vld [tilespmem:$0x110]  }
0x5c: {  	[tilespmem:$0x460] =	vst v32;
	v35 =	vld [tilespmem:$0x180]  }
0x5d: {  	[tilespmem:$0x450] =	vst v32;
	v36 =	vld [tilespmem:$0x120]  }
0x5e: {  	[tilespmem:$0x440] =	vst v32;
	v37 =	vld [tilespmem:$0x160]  }
0x5f: {  	[tilespmem:$0x430] =	vst v32;
	v33 =	vshll.u32 v33, $0xE;
	v38 =	vld [tilespmem:$0x170]  }
0x60: {  	[tilespmem:$0x420] =	vst v32;
	v33 =	vor.u32 v26, v33;
	v34 =	vshll.u32 v34, $0xE;
	v39 =	vld [tilespmem:$0x150]  }
0x61: {  	[tilespmem:$0x410] =	vst v32;
	v34 =	vor.u32 v23, v34;
	v35 =	vshll.u32 v35, $0xE;
	v40 =	vld [tilespmem:$0x1B0]  }
0x62: {  	[tilespmem:$0x400] =	vst v32;
	v36 =	vshll.u32 v36, $0xE;
	v35 =	vor.u32 v31, v35;
	v41 =	vld [tilespmem:$0x1A0]  }
0x63: {  	v36 =	vor.u32 v18, v36;
	v37 =	vshll.u32 v37, $0xE;
	[tilespmem:$0x380] =	vst v35;
	v35 =	vld [tilespmem:$0x190]  }
0x64: {  	[tilespmem:$0x300] =	vst v33;
	v33 =	vor.u32 v30, v37;
	v37 =	vshll.u32 v38, $0xE;
	v38 =	vld [tilespmem:$0x1F0]  }
0x65: {  	v39 =	vshll.u32 v39, $0xE;
	[tilespmem:$0x360] =	vst v33;
	v33 =	vor.u32 v28, v37;
	v37 =	vld [tilespmem:$0x1D0]  }
0x66: {  	v39 =	vor.u32 v20, v39;
	[tilespmem:$0x370] =	vst v33;
	v33 =	vshll.u32 v40, $0xE;
	v40 =	vld [tilespmem:$0x1C0]  }
0x67: {  	[tilespmem:$0x310] =	vst v34;
	v34 =	vld [tilespmem:$0x140];
	v41 =	vshll.u32 v41, $0xE;
	v33 =	vor.u32 v29, v33  }
0x68: {  	v42 =	vld [tilespmem:$0xB0];
	v35 =	vshll.u32 v35, $0xE;
	v41 =	vor.u32 v25, v41;
	[tilespmem:$0x3B0] =	vst v33  }
0x69: {  	v33 =	vld [tilespmem:$0x50];
	v35 =	vor.u32 v24, v35;
	[tilespmem:$0x3A0] =	vst v41;
	v38 =	vshll.u32 v38, $0xE  }
0x6a: {  	v41 =	vld [tilespmem:$0x40];
	[tilespmem:$0x390] =	vst v35;
	v35 =	vshll.u32 v37, $0xE;
	v37 =	vor.u32 v27, v38  }
0x6b: {  	v38 =	vld [tilespmem:$0x80];
	v40 =	vshll.u32 v40, $0xE;
	v35 =	vor.u32 v22, v35;
	[tilespmem:$0x3F0] =	vst v37  }
0x6c: {  	v34 =	vshll.u32 v34, $0xE;
	[tilespmem:$0x350] =	vst v39;
	v37 =	vor.u32 v21, v40  }
0x6d: {  	v39 =	vld [tilespmem:$0x70];
	v40 =	vshll.u32 v42, $0xE;
	v34 =	vor.u32 v19, v34;
	[tilespmem:$0x3D0] =	vst v35  }
0x6e: {  	v35 =	vld [tilespmem:$0x20];
	v33 =	vshll.u32 v33, $0xE;
	v40 =	vor.u32 v17, v40;
	[tilespmem:$0x3C0] =	vst v37  }
0x6f: {  	v37 =	vshll.u32 v41, $0xE;
	v41 =	vor.u32 v15, v33;
	v42 =	vld [tilespmem:$0xA0];
	[tilespmem:$0x340] =	vst v34  }
0x70: {  	v34 =	vld [tilespmem:$0x10];
	v33 =	vor.u32 v0, v37;
	v37 =	vshll.u32 v38, $0xE;
	[tilespmem:$0x2B0] =	vst v40  }
0x71: {  	[tilespmem:$0x250] =	vst v41;
	v37 =	vor.u32 v16, v37;
	v38 =	vld [tilespmem:$0x90]  }
0x72: {  	v40 =	vld [tilespmem:$0x60];
	v39 =	vshll.u32 v39, $0xE;
	[tilespmem:$0x280] =	vst v37  }
0x73: {  	v35 =	vshll.u32 v35, $0xE;
	v37 =	vld [tilespmem:$0x30];
	v39 =	vor.u32 v13, v39;
	[tilespmem:$0x320] =	vst v36  }
0x74: {  	v36 =	vld [tilespmem:$0x0];
	v35 =	vor.u32 v9, v35;
	[tilespmem:$0x270] =	vst v39;
	v39 =	vshll.u32 v42, $0xE  }
0x75: {  	v34 =	vshll.u32 v34, $0xE;
	[tilespmem:$0x220] =	vst v35;
	v35 =	vor.u32 v12, v39;
	v39 =	vld [tilespmem:$0xF0]  }
0x76: {  	v34 =	vor.u32 v5, v34;
	v38 =	vshll.u32 v38, $0xE;
	[tilespmem:$0x2A0] =	vst v35;
	v41 =	vld [tilespmem:$0xE0]  }
.Ltmp2:
0x77: {  	[tilespmem:$0x210] =	vst v34;
	v35 =	vshll.u32 v40, $0xE;
	v38 =	vor.u32 v10, v38;
	v34 =	vld [tilespmem:$0xC0];
	(pc) =	sbr.rel @p1 .LBB2_2-.Ltmp2, $4  }
0x78: {  	v37 =	vshll.u32 v37, $0xE;
	v40 =	vor.u32 v4, v35;
	[tilespmem:$0x290] =	vst v38;
	v35 =	vld [tilespmem:$0xD0]  }
0x79: {  	v38 =	vshll.u32 v36, $0xE;
	v37 =	vor.u32 v1, v37;
	[tilespmem:$0x260] =	vst v40;
	v36 =	vld [tilespmem:$0x1E0]  }
0x7a: {  	v38 =	vor.u32 v11, v38;
	[tilespmem:$0x230] =	vst v37;
	v39 =	vshll.u32 v39, $0xE;
	v37 =	vld [tilespmem:$0x130]  }
0x7b: {  	[tilespmem:$0x200] =	vst v38;
	v38 =	vshll.u32 v41, $0xE;
	v39 =	vor.u32 v8, v39  }
.LBB2_3:
0x7c: {  	[tilespmem:$0x2F0] =	vst @p0 v39  }
0x7d: {  	v34 =	vshll.u32 @p0 v34, $0xE;
	v38 =	vor.u32 @p0 v6, v38;
	[tilespmem:$0x240] =	vst @p0 v33  }
0x7e: {  	v34 =	vor.u32 @p0 v2, v34;
	v35 =	vshll.u32 @p0 v35, $0xE;
	[tilespmem:$0x2E0] =	vst @p0 v38  }
0x7f: {  	[tilespmem:$0x2C0] =	vst @p0 v34;
	v34 =	vor.u32 @p0 v3, v35;
	v35 =	vshll.u32 @p0 v36, $0xE  }
0x80: {  	[tilespmem:$0x2D0] =	vst @p0 v34;
	v34 =	vshll.u32 @p0 v37, $0xE;
	v35 =	vor.u32 @p0 v14, v35  }
0x81: {  	v34 =	vor.u32 @p0 v7, v34;
	[tilespmem:$0x3E0] =	vst @p0 v35  }
0x82: {  	[tilespmem:$0x330] =	vst @p0 v34  }
0x83: {  	[hbm4b:s2+s3] =	stream.indirect.scatter @p0 [tilespmem:s5], [sflag:$0x1], $0x1, s6, s3, $0xb8;
	[tilespmem:$0x480] =	vst v63  }
0x84: {  	_ = 	snop  }
0x85: {  	[hbm4b:s2+s3] =	stream.indirect.scatter @p0 [tilespmem:s5], [sflag:$0x1], $0x1, s7, s3, $0xb8;
	[tilespmem:$0x480] =	vst v63  }
0x86: {  	_ = 	snop  }
0x87: {  	[hbm4b:s2+s3] =	stream.indirect.scatter @p0 [tilespmem:s5], [sflag:$0x1], $0x1, s8, s3, $0xb8;
	[tilespmem:$0x480] =	vst v63  }
0x88: {  	_ = 	snop  }
0x89: {  	[hbm4b:s2+s3] =	stream.indirect.scatter @p0 [tilespmem:s5], [sflag:$0x1], $0x1, s9, s3, $0xb8;
	[tilespmem:$0x480] =	vst v63  }
0x8a: {  	_ =	swait.ge @p0 [sflag:s4], $0x80  }
0x8b: {  	[sflag:s4] =	ssyncset.done @p0 $0x0  }
0x8c: {  	[sflag:s4] =	ssyncadd.s32 @p0 $0xFFFFFF80  }
0x8d: {  	_ =	swait.ge @p0 [sflag:s4], $0x80  }
0x8e: {  	[sflag:s4] =	ssyncset.done @p0 $0x0  }
0x8f: {  	[sflag:s4] =	ssyncadd.s32 @p0 $0xFFFFFF80  }
0x90: {  	_ =	swait.ge @p0 [sflag:s4], $0x80  }
0x91: {  	[sflag:s4] =	ssyncset.done @p0 $0x0  }
0x92: {  	[sflag:s4] =	ssyncadd.s32 @p0 $0xFFFFFF80  }
0x93: {  	_ =	swait.ge @p0 [sflag:s4], $0x80  }
0x94: {  	[sflag:s4] =	ssyncset.done @p0 $0x0  }
0x95: {  	[sflag:s4] =	ssyncadd.s32 @p0 $0xFFFFFF80  }
0x96: {  	[tilespmem:s10], [sflag:$0x2] =	stream.linear.gather [hbm4b:s11+s10], $0x200, $0x38;
	[tilespmem:$0x480] =	vst v63  }
0x97: {  	_ =	swait.ge [sflag:s12], $0x200  }
0x98: {  	[sflag:s12] =	ssyncset.done $0x0  }
0x99: {  	[sflag:s12] =	ssyncadd.s32 $0xFFFFFE00  }
0x9a: {  	[tilespmem:$0x470] =	vst v32;
	v58 =	vld [tilespmem:$0x180]  }
0x9b: {  	[tilespmem:$0x460] =	vst v32;
	v59 =	vld [tilespmem:$0x100]  }
0x9c: {  	[tilespmem:$0x450] =	vst v32;
	v60 =	vld [tilespmem:$0x160]  }
0x9d: {  	[tilespmem:$0x440] =	vst v32;
	v61 =	vld [tilespmem:$0x170]  }
0x9e: {  	[tilespmem:$0x430] =	vst v32;
	v62 =	vld [tilespmem:$0x110]  }
0x9f: {  	[tilespmem:$0x420] =	vst v32;
	v45 =	vld [tilespmem:$0x1F0]  }
0xa0: {  	[tilespmem:$0x410] =	vst v32;
	v47 =	vld [tilespmem:$0x150];
	v33 =	vshll.u32 v58, $0xE  }
0xa1: {  	[tilespmem:$0x400] =	vst v32;
	v49 =	vld [tilespmem:$0x1D0];
	v34 =	vshll.u32 v59, $0xE;
	v31 =	vor.u32 v31, v33  }
0xa2: {  	v51 =	vld [tilespmem:$0x1C0];
	v41 =	vshll.u32 v60, $0xE;
	v26 =	vor.u32 v26, v34;
	[tilespmem:$0x380] =	vst v31  }
0xa3: {  	v53 =	vld [tilespmem:$0x140];
	v44 =	vshll.u32 v61, $0xE;
	v43 =	vor.u32 v30, v41;
	[tilespmem:$0x300] =	vst v26  }
0xa4: {  	v35 =	vld [tilespmem:$0x90];
	v46 =	vshll.u32 v62, $0xE;
	v48 =	vor.u32 v28, v44;
	[tilespmem:$0x360] =	vst v43  }
0xa5: {  	v36 =	vld [tilespmem:$0x60];
	v56 =	vshll.u32 v47, $0xE;
	v23 =	vor.u32 v23, v46;
	[tilespmem:$0x370] =	vst v48  }
0xa6: {  	v39 =	vld [tilespmem:$0x30];
	v58 =	vshll.u32 v49, $0xE;
	v20 =	vor.u32 v20, v56;
	[tilespmem:$0x310] =	vst v23  }
0xa7: {  	v63 =	vld [tilespmem:$0x1B0];
	v61 =	vshll.u32 v51, $0xE;
	v22 =	vor.u32 v22, v58;
	[tilespmem:$0x350] =	vst v20  }
0xa8: {  	v40 =	vld [tilespmem:$0x1A0];
	v62 =	vshll.u32 v53, $0xE;
	v21 =	vor.u32 v21, v61;
	[tilespmem:$0x3D0] =	vst v22  }
0xa9: {  	v42 =	vld [tilespmem:$0x190];
	v55 =	vshll.u32 v45, $0xE;
	v45 =	vshll.u32 v35, $0xE;
	v19 =	vor.u32 v19, v62;
	[tilespmem:$0x3C0] =	vst v21  }
0xaa: {  	v47 =	vshll.u32 v36, $0xE;
	v10 =	vor.u32 v10, v45;
	[tilespmem:$0x340] =	vst v19  }
0xab: {  	v57 =	vld [tilespmem:$0x50];
	v49 =	vshll.u32 v39, $0xE;
	v4 =	vor.u32 v4, v47;
	[tilespmem:$0x290] =	vst v10  }
0xac: {  	v54 =	vld [tilespmem:$0xB0];
	v50 =	vshll.u32 v63, $0xE;
	v1 =	vor.u32 v1, v49;
	[tilespmem:$0x260] =	vst v4  }
0xad: {  	v52 =	vshll.u32 v40, $0xE;
	v59 =	vld [tilespmem:$0x80];
	v26 =	vor.u32 v29, v50;
	[tilespmem:$0x230] =	vst v1  }
0xae: {  	v60 =	vld [tilespmem:$0x120];
	v31 =	vshll.u32 v42, $0xE;
	v23 =	vor.u32 v25, v52;
	[tilespmem:$0x3B0] =	vst v26  }
0xaf: {  	v63 =	vld [tilespmem:$0x70];
	v24 =	vor.u32 v24, v31;
	[tilespmem:$0x3A0] =	vst v23  }
0xb0: {  	v40 =	vld [tilespmem:$0x0];
	v29 =	vshll.u32 v57, $0xE;
	v23 =	vor.u32 v27, v55;
	[tilespmem:$0x390] =	vst v24  }
0xb1: {  	v28 =	vld [tilespmem:$0x20];
	v27 =	vshll.u32 v54, $0xE;
	v15 =	vor.u32 v15, v29;
	[tilespmem:$0x3F0] =	vst v23  }
0xb2: {  	v30 =	vld [tilespmem:$0xA0];
	v17 =	vor.u32 v17, v27;
	[tilespmem:$0x250] =	vst v15;
	v32 =	vshll.u32 v59, $0xE  }
0xb3: {  	v44 =	vld [tilespmem:$0xF0];
	[tilespmem:$0x2B0] =	vst v17;
	v33 =	vshll.u32 v60, $0xE;
	v34 =	vor.u32 v16, v32  }
0xb4: {  	v48 =	vld [tilespmem:$0xC0];
	v37 =	vshll.u32 v63, $0xE;
	v17 =	vor.u32 v18, v33;
	[tilespmem:$0x280] =	vst v34  }
0xb5: {  	v50 =	vld [tilespmem:$0xD0];
	v51 =	vshll.u32 v40, $0xE;
	v13 =	vor.u32 v13, v37;
	[tilespmem:$0x320] =	vst v17  }
0xb6: {  	v52 =	vld [tilespmem:$0x1E0];
	v38 =	vshll.u32 v28, $0xE;
	v10 =	vor.u32 v11, v51;
	[tilespmem:$0x270] =	vst v13  }
0xb7: {  	v31 =	vld [tilespmem:$0x10];
	v41 =	vshll.u32 v30, $0xE;
	v9 =	vor.u32 v9, v38;
	[tilespmem:$0x200] =	vst v10  }
0xb8: {  	v46 =	vld [tilespmem:$0xE0];
	v53 =	vshll.u32 v44, $0xE;
	v43 =	vor.u32 v12, v41;
	[tilespmem:$0x220] =	vst v9  }
0xb9: {  	v54 =	vld [tilespmem:$0x130];
	v1 =	vor.u32 v8, v53;
	v56 =	vshll.u32 v48, $0xE;
	[tilespmem:$0x2A0] =	vst v43  }
0xba: {  	v55 =	vld [tilespmem:$0x40];
	v59 =	vshll.u32 v50, $0xE;
	[tilespmem:$0x2F0] =	vst v1;
	v58 =	vor.u32 v2, v56  }
0xbb: {  	v61 =	vshll.u32 v52, $0xE;
	v60 =	vor.u32 v3, v59;
	[tilespmem:$0x2C0] =	vst v58  }
0xbc: {  	v42 =	vshll.u32 v31, $0xE;
	v2 =	vor.u32 v14, v61;
	[tilespmem:$0x2D0] =	vst v60  }
0xbd: {  	v9 =	vshll.u32 v46, $0xE;
	v5 =	vor.u32 v5, v42;
	[tilespmem:$0x3E0] =	vst v2  }
0xbe: {  	v62 =	vshll.u32 v54, $0xE;
	v57 =	vor.u32 v6, v9;
	[tilespmem:$0x210] =	vst v5  }
0xbf: {  	v63 =	vshll.u32 v55, $0xE;
	v1 =	vor.u32 v7, v62;
	[tilespmem:$0x2E0] =	vst v57  }
0xc0: {  	v0 =	vor.u32 v0, v63;
	[tilespmem:$0x330] =	vst v1  }
0xc1: {  	[tilespmem:$0x240] =	vst v0  }
0xc2: {  	[hbm4b:s2+s3] =	stream.indirect.scatter [tilespmem:s5], [sflag:$0x1], $0x1, s6, s3, $0xb8;
	[tilespmem:$0x480] =	vst v63  }
0xc3: {  	_ = 	snop  }
0xc4: {  	[hbm4b:s2+s3] =	stream.indirect.scatter [tilespmem:s5], [sflag:$0x1], $0x1, s7, s3, $0xb8;
	[tilespmem:$0x480] =	vst v63  }
0xc5: {  	_ = 	snop  }
0xc6: {  	[hbm4b:s2+s3] =	stream.indirect.scatter [tilespmem:s5], [sflag:$0x1], $0x1, s8, s3, $0xb8;
	[tilespmem:$0x480] =	vst v63  }
0xc7: {  	_ = 	snop  }
0xc8: {  	[hbm4b:s2+s3] =	stream.indirect.scatter [tilespmem:s5], [sflag:$0x1], $0x1, s9, s3, $0xb8;
	[tilespmem:$0x480] =	vst v63  }
0xc9: {  	_ =	swait.ge [sflag:s4], $0x80  }
0xca: {  	[sflag:s4] =	ssyncset.done $0x0  }
0xcb: {  	[sflag:s4] =	ssyncadd.s32 $0xFFFFFF80  }
0xcc: {  	_ =	swait.ge [sflag:s4], $0x80  }
0xcd: {  	[sflag:s4] =	ssyncset.done $0x0  }
0xce: {  	[sflag:s4] =	ssyncadd.s32 $0xFFFFFF80  }
0xcf: {  	_ =	swait.ge [sflag:s4], $0x80  }
0xd0: {  	[sflag:s4] =	ssyncset.done $0x0  }
0xd1: {  	[sflag:s4] =	ssyncadd.s32 $0xFFFFFF80  }
0xd2: {  	_ =	swait.ge [sflag:s4], $0x80  }
0xd3: {  	[sflag:s4] =	ssyncset.done $0x0  }
0xd4: {  	[sflag:s4] =	ssyncadd.s32 $0xFFFFFF80  }
0xd5: {  	_ =	sfence.sel $0x180000  }
0xd6: {  	[bflag:$0x0] =	sbarrier.arrive $0xFFFF  }
0xd7: {  	p0 =	sne.s32 s1, $0x0;
	_ =	strace $0x9000004A  }
0xd8: {  	s0 =	sadd.s32 @!p0 $0x100000, s0;
	[bflag:$0x2] =	sbarrier.arrive $0xFFFF  }
0xd9: {  	[sflag:s0] =	ssyncadd.tile.s32 @!p0 $0x1;
	_ =	shalt  }
.Lfunc_end2:
_tile_overlayer_lowered:
.L_overlay_start_2:
0xda: {  	(tag) =	ssettag $0x2  }
0xdb: {  	s0 =	rddreg [dreg:$0x0];
	s2 =	stileid.u32  }
0xdc: {  	s1 =	rddreg [dreg:$0x1];
	p0 =	sne.s32 s2, $0x0  }
0xdd: {  	s3 =	rddreg [dreg:$0x2];
	[bflag:$0x3] =	sbarrier.arrive $0xFFFF;
	s2 =	simm.s32 @!p0 $0x1C02  }
0xde: {  	[timem:s3], [sflag:s2] =	dma.local @!p0 [hbm:s0], s1  }
0xdf: {  	s0 =	simm.s32 @!p0 $0x2  }
0xe0: {  	_ =	swait.ge @!p0 [sflag:s0], s1  }
0xe1: {  	s1 =	ssub.s32 @!p0 $0x0, s1;
	[sflag:s0] =	ssyncset.done @!p0 $0x0  }
0xe2: {  	[sflag:s0] =	ssyncadd.s32 @!p0 s1  }
0xe3: {  	[bflag:$0x3] =	sbarrier.arrive $0xFFFF  }
0xe4: {  	_ =	shalt  }

</sc_bundles>
